<compile_context>
chip_gen: v7x
topology: tpu7x:2x2x1
jax: 0.10.2.dev20260603
libtpu: 0.0.44.dev20260713+nightly
codegen_flags: <defaults>
</compile_context>

<pallas_src>
import functools
import jax
import jax.numpy as jnp
from jax import lax
from jax.experimental import pallas as pl
from jax.experimental.pallas import tpu as pltpu
from jax.experimental.pallas import tpu_sc as plsc

B, N_H, N_PTS, K_SEL, NEIGHS = 2, 64, 4096, 1024, 20
EPS = 1e-5
HI = jax.lax.Precision.HIGHEST
RBLK = 256
NBLK = N_PTS // RBLK



def _knn_body(h1_ref, xx_ref, out_ref):
    b = pl.program_id(0)
    i = pl.program_id(1)
    hb = h1_ref[0].astype(jnp.bfloat16)
    rows = h1_ref[0, :, pl.ds(i * RBLK, RBLK)].astype(jnp.bfloat16)
    A = jax.lax.dot_general(rows, hb, (((0,), (0,)), ((), ())),
                            preferred_element_type=jnp.float32)
    xx = xx_ref[0]
    xr = jnp.reshape(xx_ref[0, 0, pl.ds(i * RBLK, RBLK)], (RBLK, 1))
    P = 2.0 * A - xr - xx
    iota_j = jax.lax.broadcasted_iota(jnp.int32, (RBLK, N_PTS), 1)
    for k in range(NEIGHS):
        m = jnp.max(P, axis=1, keepdims=True)
        cand = jnp.where(P == m, iota_j, N_PTS)
        am = jnp.min(cand, axis=1)
        out_ref[0, k, :] = am
        P = jnp.where(cand == am[:, None], -jnp.inf, P)


def _knn_topk(h1, xx):
    return pl.pallas_call(
        _knn_body,
        grid=(B, NBLK),
        in_specs=[
            pl.BlockSpec((1, N_H, N_PTS), lambda b, i: (b, 0, 0)),
            pl.BlockSpec((1, 1, N_PTS), lambda b, i: (b, 0, 0)),
        ],
        out_specs=pl.BlockSpec((1, NEIGHS, RBLK), lambda b, i: (b, 0, i)),
        out_shape=jax.ShapeDtypeStruct((B, NEIGHS, N_PTS), jnp.int32),
    )(h1, xx.reshape(B, 1, N_PTS))



N_ROWS = B * N_PTS
NW = 32
PER_W = N_ROWS // NW
CHUNK = 128
NCH = PER_W // CHUNK


TW = 2 * N_H


@functools.partial(
    pl.kernel,
    mesh=plsc.VectorSubcoreMesh(core_axis_name="c", subcore_axis_name="s"),
    out_type=jax.ShapeDtypeStruct((N_ROWS, TW), jnp.float32),
    scratch_types=[
        pltpu.VMEM((CHUNK,), jnp.int32),
        pltpu.VMEM((CHUNK, TW), jnp.float32),
        pltpu.SemaphoreType.DMA,
    ],
)
def _sc_gather(table_hbm, idx_hbm, out_hbm, idx_v, rows_v, sem):
    wid = lax.axis_index("s") * 2 + lax.axis_index("c")
    base = wid * PER_W

    def chunk(j, carry):
        off = base + j * CHUNK
        pltpu.sync_copy(idx_hbm.at[pl.ds(off, CHUNK)], idx_v)
        pltpu.async_copy(table_hbm.at[idx_v], rows_v, sem).wait()
        pltpu.sync_copy(rows_v, out_hbm.at[pl.ds(off, CHUNK)])
        return carry

    lax.fori_loop(0, NCH, chunk, 0)




def kernel(xyz, seq1, W_fc, b_fc, g1, beta1, W_conv, g2, beta2, W_bil, b_bil, perm):
    A = jnp.einsum('oc,bcn->bon', W_fc, seq1) + b_fc[None, :, None]
    m1 = jnp.mean(A, axis=(0, 2), keepdims=True)
    v1 = jnp.var(A, axis=(0, 2), keepdims=True)
    h1 = jnp.maximum((A - m1) / jnp.sqrt(v1 + EPS) * g1.reshape(1, N_H, 1)
                     + beta1.reshape(1, N_H, 1), 0.0)

    xx = jnp.sum(h1 * h1, axis=1)
    idx20 = jnp.transpose(_knn_topk(h1, xx), (0, 2, 1))

    h1t = jnp.transpose(h1, (0, 2, 1))
    table = jnp.pad(h1t.reshape(B * N_PTS, N_H), ((0, 0), (0, TW - N_H)))
    permg = perm[None, :].astype(jnp.int32) + (jnp.arange(B, dtype=jnp.int32) * N_PTS)[:, None]
    h2t = _sc_gather(table, permg.reshape(-1))[:, :N_H].reshape(B, N_PTS, N_H)

    feat4 = jax.vmap(lambda t, i: t[i])(h1t, idx20)
    ctr4 = h1t[:, :, None, :]
    gf = jnp.concatenate([feat4 - ctr4, jnp.broadcast_to(ctr4, feat4.shape)], axis=3)
    gf = jnp.transpose(gf, (0, 3, 1, 2))
    hcs = jnp.einsum('oc,bcnk->bonk', W_conv, gf)
    hcb = ((hcs - jnp.mean(hcs, axis=(0, 2, 3), keepdims=True))
           / jnp.sqrt(jnp.var(hcs, axis=(0, 2, 3), keepdims=True) + EPS)
           * g2.reshape(1, N_H, 1, 1) + beta2.reshape(1, N_H, 1, 1))
    hcb = jnp.where(hcb > 0, hcb, 0.2 * hcb)
    h_n1 = jnp.max(hcb, axis=-1)
    Xt = jnp.transpose(jax.nn.sigmoid(h_n1), (0, 2, 1))

    T1 = jnp.einsum('bni,ij->bnj', h1t, W_bil)
    sc1 = jnp.sum(T1 * Xt, axis=2) + b_bil
    T2 = jnp.einsum('bni,ij->bnj', h2t, W_bil)
    sc2 = jnp.sum(T2 * Xt, axis=2) + b_bil
    logits = jnp.concatenate([sc1, sc2], axis=1)

    scores = jax.nn.sigmoid(sc1)
    gt = (scores[:, None, :] > scores[:, :, None]).astype(jnp.int32)
    iot = jnp.arange(N_PTS)
    tie = ((scores[:, None, :] == scores[:, :, None])
           & (iot[None, None, :] < iot[None, :, None])).astype(jnp.int32)
    rank = jnp.sum(gt + tie, axis=2)
    M = (rank[:, None, :] == jnp.arange(K_SEL)[None, :, None]).astype(jnp.float32)
    values = jnp.einsum('bri,bi->br', M, scores, precision=HI)
    idx = jnp.einsum('bri,i->br', M, iot.astype(jnp.float32), precision=HI).astype(jnp.int32)
    seq_static = jnp.einsum('bcn,brn->bcr', seq1, M, precision=HI)
    seq = seq_static * values[:, None, :]
    xyz_static = jnp.einsum('bcn,brn->bcr', xyz, M, precision=HI)
    xyz_out = xyz_static * values[:, None, :]

    return seq, values, idx, logits, xyz_static, xyz_out

# --- scband reference (transcript-rebuilt; emitter-appended) ---
"""Pipeline reference for scband-index-select-8761733284512 (READ-ONLY COPY).

The authoritative reference and input builder live on the scoring server;
editing this copy changes nothing except your own understanding.
"""

import jax, jax.numpy as jnp
import numpy as np

B, N_H, N_PTS, K_SEL, NEIGHS = 2, 64, 4096, 1024, 20
EPS = 1e-5


def _bn(x, g, b, axes, shape):
    m = jnp.mean(x, axis=axes, keepdims=True)
    v = jnp.var(x, axis=axes, keepdims=True)
    return (x - m) / jnp.sqrt(v + EPS) * g.reshape(shape) + b.reshape(shape)


def _knn(x, k):
    xt = jnp.swapaxes(x, 1, 2)
    inner = -2.0 * jnp.matmul(xt, x)
    xx = jnp.sum(x * x, axis=1, keepdims=True)
    pd = -xx - inner - jnp.swapaxes(xx, 1, 2)
    return jax.lax.top_k(pd, k)[1]


def _graph_feature(x, k):
    b, c, n = x.shape
    idx = _knn(x, k)
    xt = jnp.swapaxes(x, 1, 2)
    feat = jax.vmap(lambda xb, ib: xb[ib])(xt, idx)
    ctr = jnp.broadcast_to(xt[:, :, None, :], (b, n, k, c))
    out = jnp.concatenate([feat - ctr, ctr], axis=3)
    return jnp.transpose(out, (0, 3, 1, 2))


def _forward(xyz, seq1, W_fc, b_fc, g1, beta1, W_conv, g2, beta2, W_bil, b_bil, perm):
    seq2 = seq1[:, :, perm]

    def fc(s):
        h = jnp.einsum('oc,bcn->bon', W_fc, s) + b_fc[None, :, None]
        h = _bn(h, g1, beta1, (0, 2), (1, N_H, 1))
        return jnp.maximum(h, 0.0)

    h1 = fc(seq1)
    h2 = fc(seq2)
    gf = _graph_feature(h1, NEIGHS)
    hc = jnp.einsum('oc,bcnk->bonk', W_conv, gf)
    hc = _bn(hc, g2, beta2, (0, 2, 3), (1, N_H, 1, 1))
    hc = jnp.where(hc > 0, hc, 0.2 * hc)
    h_n1 = jnp.max(hc, axis=-1)
    X = jax.nn.sigmoid(h_n1)
    Xt = jnp.transpose(X, (0, 2, 1))
    h1t = jnp.transpose(h1, (0, 2, 1))
    h2t = jnp.transpose(h2, (0, 2, 1))
    sc1 = jnp.einsum('bni,ij,bnj->bn', h1t, W_bil, Xt) + b_bil
    sc2 = jnp.einsum('bni,ij,bnj->bn', h2t, W_bil, Xt) + b_bil
    logits = jnp.concatenate([sc1, sc2], axis=1)
    ret_true = logits[:, :N_PTS]
    scores = jax.nn.sigmoid(ret_true)
    values, idx = jax.lax.top_k(scores, K_SEL)
    idx_s = jnp.broadcast_to(idx[:, None, :], (B, N_H, K_SEL))
    seq_static = jnp.take_along_axis(seq1, idx_s, axis=2)
    seq = seq_static * values[:, None, :]
    idx_x = jnp.broadcast_to(idx[:, None, :], (B, xyz.shape[1], K_SEL))
    xyz_static = jnp.take_along_axis(xyz, idx_x, axis=2)
    xyz_out = xyz_static * values[:, None, :]
    return seq, values, idx, logits, xyz_static, xyz_out


def setup_inputs(seed: int = 0):
    key = jax.random.key(seed)
    ks = jax.random.split(key, 8)
    return {
        'xyz': jax.random.normal(ks[0], (B, 3, N_PTS), jnp.float32),
        'seq1': jax.random.normal(ks[1], (B, N_H, N_PTS), jnp.float32),
        'W_fc': jax.random.normal(ks[2], (N_H, N_H), jnp.float32) / np.sqrt(N_H),
        'b_fc': jnp.zeros((N_H,), jnp.float32),
        'g1': jnp.ones((N_H,), jnp.float32),
        'beta1': jnp.zeros((N_H,), jnp.float32),
        'W_conv': jax.random.normal(ks[3], (N_H, 2 * N_H), jnp.float32) / np.sqrt(2 * N_H),
        'g2': jnp.ones((N_H,), jnp.float32),
        'beta2': jnp.zeros((N_H,), jnp.float32),
        'W_bil': jax.random.normal(ks[4], (N_H, N_H), jnp.float32) / N_H,
        'b_bil': jnp.zeros((), jnp.float32),
        'perm': jax.random.permutation(ks[5], N_PTS),
    }


def reference(xyz, seq1, W_fc, b_fc, g1, beta1, W_conv, g2, beta2, W_bil, b_bil, perm):
    return _forward(xyz, seq1, W_fc, b_fc, g1, beta1, W_conv, g2, beta2, W_bil, b_bil, perm)

if __name__ == "__main__":
    import jax
    _d = setup_inputs()
    print(jax.jit(kernel)(*tuple(_d.values())))

</pallas_src>

<mosaic_0001>
#map = affine_map<(d0, d1) -> (0, 0)>
#map1 = affine_map<(d0, d1) -> (0)>
module attributes {stable_mosaic.version = 14 : i64} {
  func.func @_sc_gather(%arg0: i32, %arg1: i32, %arg2: memref<8192x128xf32, #tpu.memory_space<hbm>>, %arg3: memref<8192xi32, #tpu.memory_space<hbm>>, %arg4: memref<8192x128xf32, #tpu.memory_space<hbm>>, %arg5: memref<128xi32, #tpu.memory_space<vmem>>, %arg6: memref<128x128xf32, #tpu.memory_space<vmem>>, %arg7: memref<!tpu.dma_semaphore, #tpu.memory_space<semaphore_mem>>) attributes {dimension_semantics = [#tpu.dimension_semantics<core_parallel>, #tpu.dimension_semantics<subcore_parallel>], iteration_bounds = array<i64: 2, 16>, scalar_prefetch = 0 : i64, scratch_operands = 3 : i64, tpu.core_type = #tpu.core_type<sc_vector_subcore>, window_params = [{transform_indices = #map}, {transform_indices = #map1}, {transform_indices = #map}]} {
    %mul3A = arith.constant 2 : i32
    %mul3A_0 = arith.muli %arg1, %mul3A : i32
    %add3A = arith.addi %mul3A_0, %arg0 : i32
    %mul3A_1 = arith.constant 256 : i32
    %mul3A_2 = arith.muli %add3A, %mul3A_1 : i32
    %scan3A = arith.constant 0 : i32
    %scan3A_3 = arith.constant 0 : i32
    %scan3A_4 = arith.constant 2 : i32
    %scan3A_5 = arith.addi %scan3A_3, %scan3A_4 : i32
    %scan3A_6 = arith.constant 1 : i32
    scf.for %scan3A_8 = %scan3A_3 to %scan3A_5 step %scan3A_6  : i32 {
      %mul3A_9 = arith.constant 128 : i32
      %mul3A_10 = arith.muli %scan3A_8, %mul3A_9 : i32
      %add3A_11 = arith.addi %mul3A_2, %mul3A_10 : i32
      "tpu.region"() ({
        %run_scoped3A = tpu.sem_alloc : memref<!tpu.dma_semaphore, #tpu.memory_space<semaphore_mem>>
        %dma_start3A_16 = tpu.memref_slice %arg3[%add3A_11] : memref<8192xi32, #tpu.memory_space<hbm>> -> memref<128xi32, #tpu.memory_space<hbm>>
        %dma_start3A_17 = tpu.memref_slice %arg3[%add3A_11] : memref<8192xi32, #tpu.memory_space<hbm>> -> memref<128xi32, #tpu.memory_space<hbm>>
        tpu.enqueue_dma source(%dma_start3A_17 : memref<128xi32, #tpu.memory_space<hbm>>) target(%arg5 : memref<128xi32, #tpu.memory_space<vmem>>) target_semaphore(%run_scoped3A : memref<!tpu.dma_semaphore, #tpu.memory_space<semaphore_mem>>)
        %dma_wait3A_18 = tpu.memref_slice %arg3[%add3A_11] : memref<8192xi32, #tpu.memory_space<hbm>> -> memref<128xi32, #tpu.memory_space<hbm>>
        %dma_wait3A_19 = tpu.memref_slice %arg3[%add3A_11] : memref<8192xi32, #tpu.memory_space<hbm>> -> memref<128xi32, #tpu.memory_space<hbm>>
        tpu.wait_dma2 semaphore(%run_scoped3A : memref<!tpu.dma_semaphore, #tpu.memory_space<semaphore_mem>>) src(%dma_wait3A_19 : memref<128xi32, #tpu.memory_space<hbm>>) dst(%arg5 : memref<128xi32, #tpu.memory_space<vmem>>)
        tpu.yield
      }) : () -> ()
      %dma_start3A = arith.constant 0 : i32
      %dma_start3A_12 = arith.constant 0 : i32
      %dma_start3A_13 = tpu.memref_slice %arg2[%dma_start3A, %dma_start3A_12] : memref<8192x128xf32, #tpu.memory_space<hbm>> -> memref<8192x128xf32, #tpu.memory_space<hbm>>
      tpu.enqueue_indirect_dma source(%dma_start3A_13 : memref<8192x128xf32, #tpu.memory_space<hbm>>) target(%arg6 : memref<128x128xf32, #tpu.memory_space<vmem>>) offsets(%arg5 : memref<128xi32, #tpu.memory_space<vmem>>) semaphore(%arg7 : memref<!tpu.dma_semaphore, #tpu.memory_space<semaphore_mem>>)
      %dma_wait3A = arith.constant 0 : i32
      %dma_wait3A_14 = arith.constant 0 : i32
      %dma_wait3A_15 = tpu.memref_slice %arg2[%dma_wait3A, %dma_wait3A_14] : memref<8192x128xf32, #tpu.memory_space<hbm>> -> memref<8192x128xf32, #tpu.memory_space<hbm>>
      tpu.wait_indirect_dma semaphore(%arg7 : memref<!tpu.dma_semaphore, #tpu.memory_space<semaphore_mem>>) src(%dma_wait3A_15 : memref<8192x128xf32, #tpu.memory_space<hbm>>) dst(%arg6 : memref<128x128xf32, #tpu.memory_space<vmem>>)
      "tpu.region"() ({
        %run_scoped3A = tpu.sem_alloc : memref<!tpu.dma_semaphore, #tpu.memory_space<semaphore_mem>>
        %dma_start3A_16 = arith.constant 0 : i32
        %dma_start3A_17 = tpu.memref_slice %arg4[%add3A_11, %dma_start3A_16] : memref<8192x128xf32, #tpu.memory_space<hbm>> -> memref<128x128xf32, #tpu.memory_space<hbm>>
        %dma_start3A_18 = arith.constant 0 : i32
        %dma_start3A_19 = tpu.memref_slice %arg4[%add3A_11, %dma_start3A_18] : memref<8192x128xf32, #tpu.memory_space<hbm>> -> memref<128x128xf32, #tpu.memory_space<hbm>>
        tpu.enqueue_dma source(%arg6 : memref<128x128xf32, #tpu.memory_space<vmem>>) target(%dma_start3A_19 : memref<128x128xf32, #tpu.memory_space<hbm>>) target_semaphore(%run_scoped3A : memref<!tpu.dma_semaphore, #tpu.memory_space<semaphore_mem>>)
        %dma_wait3A_20 = arith.constant 0 : i32
        %dma_wait3A_21 = tpu.memref_slice %arg4[%add3A_11, %dma_wait3A_20] : memref<8192x128xf32, #tpu.memory_space<hbm>> -> memref<128x128xf32, #tpu.memory_space<hbm>>
        %dma_wait3A_22 = arith.constant 0 : i32
        %dma_wait3A_23 = tpu.memref_slice %arg4[%add3A_11, %dma_wait3A_22] : memref<8192x128xf32, #tpu.memory_space<hbm>> -> memref<128x128xf32, #tpu.memory_space<hbm>>
        tpu.wait_dma2 semaphore(%run_scoped3A : memref<!tpu.dma_semaphore, #tpu.memory_space<semaphore_mem>>) src(%arg6 : memref<128x128xf32, #tpu.memory_space<vmem>>) dst(%dma_wait3A_23 : memref<128x128xf32, #tpu.memory_space<hbm>>)
        tpu.yield
      }) : () -> ()
    }
    %scan3A_7 = arith.constant 2 : i32
    return
  }
}

module attributes {stable_mosaic.version = 14 : i64} {
  func.func @_knn_body(%arg0: i32, %arg1: i32, %arg2: memref<1x64x4096xf32, #tpu.memory_space<vmem>>, %arg3: memref<1x1x4096xf32, #tpu.memory_space<vmem>>, %arg4: memref<1x20x256xi32, #tpu.memory_space<vmem>>) attributes {dimension_semantics = [#tpu.dimension_semantics<arbitrary>, #tpu.dimension_semantics<arbitrary>], iteration_bounds = array<i64: 2, 16>, scalar_prefetch = 0 : i64, scratch_operands = 0 : i64, tpu.core_type = #tpu.core_type<tc>, window_params = [{transform_indices = @transform_0, window_bounds = array<i64: 1, 64, 4096>}, {transform_indices = @transform_1, window_bounds = array<i64: 1, 1, 4096>}, {transform_indices = @transform_2, window_bounds = array<i64: 1, 20, 256>}]} {
    %get3A = arith.constant 0 : index
    %get3A_0 = arith.constant 0 : index
    %get3A_1 = arith.constant 0 : index
    %get3A_2 = vector.load %arg2[%get3A, %get3A_0, %get3A_1] : memref<1x64x4096xf32, #tpu.memory_space<vmem>>, vector<1x64x4096xf32>
    %get3A_3 = vector.shape_cast %get3A_2 : vector<1x64x4096xf32> to vector<64x4096xf32>
    %convert_element_type3A = arith.truncf %get3A_3 : vector<64x4096xf32> to vector<64x4096xbf16>
    %mul3A = arith.constant 256 : i32
    %mul3A_4 = arith.muli %arg1, %mul3A : i32
    %get3A_5 = arith.constant 0 : index
    %get3A_6 = arith.constant 0 : index
    %get3A_7 = arith.index_cast %mul3A_4 : i32 to index
    %get3A_8 = vector.load %arg2[%get3A_5, %get3A_6, %get3A_7] : memref<1x64x4096xf32, #tpu.memory_space<vmem>>, vector<1x64x256xf32>
    %get3A_9 = vector.shape_cast %get3A_8 : vector<1x64x256xf32> to vector<64x256xf32>
    %convert_element_type3A_10 = arith.truncf %get3A_9 : vector<64x256xf32> to vector<64x256xbf16>
    %dot_general3A = arith.constant dense<0.000000e+00> : vector<256x4096xf32>
    %dot_general3A_11 = tpu.matmul %convert_element_type3A_10, %convert_element_type3A, %dot_general3A {dimension_numbers = #tpu.dot_dimension_numbers<[0], [0], [1], [1], [0, 1, 1, 1], [], []>, transpose_lhs_hint = false} : vector<64x256xbf16>, vector<64x4096xbf16>, vector<256x4096xf32> -> vector<256x4096xf32>
    %get3A_12 = arith.constant 0 : index
    %get3A_13 = arith.constant 0 : index
    %get3A_14 = arith.constant 0 : index
    %get3A_15 = vector.load %arg3[%get3A_12, %get3A_13, %get3A_14] : memref<1x1x4096xf32, #tpu.memory_space<vmem>>, vector<1x1x4096xf32>
    %get3A_16 = vector.shape_cast %get3A_15 : vector<1x1x4096xf32> to vector<1x4096xf32>
    %mul3A_17 = arith.constant 256 : i32
    %mul3A_18 = arith.muli %arg1, %mul3A_17 : i32
    %get3A_19 = arith.constant 0 : index
    %get3A_20 = arith.constant 0 : index
    %get3A_21 = arith.index_cast %mul3A_18 : i32 to index
    %get3A_22 = vector.load %arg3[%get3A_19, %get3A_20, %get3A_21] : memref<1x1x4096xf32, #tpu.memory_space<vmem>>, vector<1x1x256xf32>
    %get3A_23 = vector.shape_cast %get3A_22 : vector<1x1x256xf32> to vector<256xf32>
    %reshape3A = vector.shape_cast %get3A_23 : vector<256xf32> to vector<256x1xf32>
    %mul3A_24 = arith.constant 2.000000e+00 : f32
    %mul3A_25 = vector.broadcast %mul3A_24 : f32 to vector<256x4096xf32>
    %mul3A_26 = arith.mulf %mul3A_25, %dot_general3A_11 : vector<256x4096xf32>
    %sub3A = vector.broadcast %reshape3A : vector<256x1xf32> to vector<256x4096xf32>
    %sub3A_27 = arith.subf %mul3A_26, %sub3A : vector<256x4096xf32>
    %sub3A_28 = vector.broadcast %get3A_16 : vector<1x4096xf32> to vector<256x4096xf32>
    %sub3A_29 = arith.subf %sub3A_27, %sub3A_28 : vector<256x4096xf32>
    %iota3A = tpu.iota {dimensions = array<i32: 1>} : vector<256x4096xi32>
    %reduce_max3A = arith.constant dense<0xFF800000> : vector<256xf32>
    %reduce_max3A_30 = vector.multi_reduction <maximumf>, %sub3A_29, %reduce_max3A [1] : vector<256x4096xf32> to vector<256xf32>
    %broadcast_in_dim3A = vector.shape_cast %reduce_max3A_30 : vector<256xf32> to vector<256x1xf32>
    %eq3A = vector.broadcast %broadcast_in_dim3A : vector<256x1xf32> to vector<256x4096xf32>
    %eq3A_31 = arith.cmpf oeq, %sub3A_29, %eq3A : vector<256x4096xf32>
    %jit3A = arith.constant 4096 : i32
    %broadcast_in_dim3A_32 = vector.broadcast %jit3A : i32 to vector<256x4096xi32>
    %select_n3A = arith.select %eq3A_31, %iota3A, %broadcast_in_dim3A_32 : vector<256x4096xi1>, vector<256x4096xi32>
    %reduce_min3A = arith.constant dense<2147483647> : vector<256xi32>
    %reduce_min3A_33 = vector.multi_reduction <minsi>, %select_n3A, %reduce_min3A [1] : vector<256x4096xi32> to vector<256xi32>
    %swap3A = arith.constant 0 : index
    %swap3A_34 = arith.constant 0 : index
    %swap3A_35 = arith.constant 0 : index
    %swap3A_36 = vector.load %arg4[%swap3A, %swap3A_34, %swap3A_35] : memref<1x20x256xi32, #tpu.memory_space<vmem>>, vector<1x1x256xi32>
    %swap3A_37 = vector.shape_cast %swap3A_36 : vector<1x1x256xi32> to vector<256xi32>
    %swap3A_38 = vector.shape_cast %reduce_min3A_33 : vector<256xi32> to vector<1x1x256xi32>
    tpu.vector_store %arg4[%swap3A, %swap3A_34, %swap3A_35], %swap3A_38 {strides = array<i32>} : memref<1x20x256xi32, #tpu.memory_space<vmem>>, vector<1x1x256xi32>,
    %broadcast_in_dim3A_39 = vector.shape_cast %reduce_min3A_33 : vector<256xi32> to vector<256x1xi32>
    %eq3A_40 = vector.broadcast %broadcast_in_dim3A_39 : vector<256x1xi32> to vector<256x4096xi32>
    %eq3A_41 = arith.cmpi eq, %select_n3A, %eq3A_40 : vector<256x4096xi32>
    %jit3A_42 = arith.constant 0xFF800000 : f32
    %broadcast_in_dim3A_43 = vector.broadcast %jit3A_42 : f32 to vector<256x4096xf32>
    %select_n3A_44 = arith.select %eq3A_41, %broadcast_in_dim3A_43, %sub3A_29 : vector<256x4096xi1>, vector<256x4096xf32>
    %reduce_max3A_45 = arith.constant dense<0xFF800000> : vector<256xf32>
    %reduce_max3A_46 = vector.multi_reduction <maximumf>, %select_n3A_44, %reduce_max3A_45 [1] : vector<256x4096xf32> to vector<256xf32>
    %broadcast_in_dim3A_47 = vector.shape_cast %reduce_max3A_46 : vector<256xf32> to vector<256x1xf32>
    %eq3A_48 = vector.broadcast %broadcast_in_dim3A_47 : vector<256x1xf32> to vector<256x4096xf32>
    %eq3A_49 = arith.cmpf oeq, %select_n3A_44, %eq3A_48 : vector<256x4096xf32>
    %jit3A_50 = arith.constant 4096 : i32
    %broadcast_in_dim3A_51 = vector.broadcast %jit3A_50 : i32 to vector<256x4096xi32>
    %select_n3A_52 = arith.select %eq3A_49, %iota3A, %broadcast_in_dim3A_51 : vector<256x4096xi1>, vector<256x4096xi32>
    %reduce_min3A_53 = arith.constant dense<2147483647> : vector<256xi32>
    %reduce_min3A_54 = vector.multi_reduction <minsi>, %select_n3A_52, %reduce_min3A_53 [1] : vector<256x4096xi32> to vector<256xi32>
    %swap3A_55 = arith.constant 0 : index
    %swap3A_56 = arith.constant 1 : index
    %swap3A_57 = arith.constant 0 : index
    %swap3A_58 = vector.load %arg4[%swap3A_55, %swap3A_56, %swap3A_57] : memref<1x20x256xi32, #tpu.memory_space<vmem>>, vector<1x1x256xi32>
    %swap3A_59 = vector.shape_cast %swap3A_58 : vector<1x1x256xi32> to vector<256xi32>
    %swap3A_60 = vector.shape_cast %reduce_min3A_54 : vector<256xi32> to vector<1x1x256xi32>
    tpu.vector_store %arg4[%swap3A_55, %swap3A_56, %swap3A_57], %swap3A_60 {strides = array<i32>} : memref<1x20x256xi32, #tpu.memory_space<vmem>>, vector<1x1x256xi32>,
    %broadcast_in_dim3A_61 = vector.shape_cast %reduce_min3A_54 : vector<256xi32> to vector<256x1xi32>
    %eq3A_62 = vector.broadcast %broadcast_in_dim3A_61 : vector<256x1xi32> to vector<256x4096xi32>
    %eq3A_63 = arith.cmpi eq, %select_n3A_52, %eq3A_62 : vector<256x4096xi32>
    %jit3A_64 = arith.constant 0xFF800000 : f32
    %broadcast_in_dim3A_65 = vector.broadcast %jit3A_64 : f32 to vector<256x4096xf32>
    %select_n3A_66 = arith.select %eq3A_63, %broadcast_in_dim3A_65, %select_n3A_44 : vector<256x4096xi1>, vector<256x4096xf32>
    %reduce_max3A_67 = arith.constant dense<0xFF800000> : vector<256xf32>
    %reduce_max3A_68 = vector.multi_reduction <maximumf>, %select_n3A_66, %reduce_max3A_67 [1] : vector<256x4096xf32> to vector<256xf32>
    %broadcast_in_dim3A_69 = vector.shape_cast %reduce_max3A_68 : vector<256xf32> to vector<256x1xf32>
    %eq3A_70 = vector.broadcast %broadcast_in_dim3A_69 : vector<256x1xf32> to vector<256x4096xf32>
    %eq3A_71 = arith.cmpf oeq, %select_n3A_66, %eq3A_70 : vector<256x4096xf32>
    %jit3A_72 = arith.constant 4096 : i32
    %broadcast_in_dim3A_73 = vector.broadcast %jit3A_72 : i32 to vector<256x4096xi32>
    %select_n3A_74 = arith.select %eq3A_71, %iota3A, %broadcast_in_dim3A_73 : vector<256x4096xi1>, vector<256x4096xi32>
    %reduce_min3A_75 = arith.constant dense<2147483647> : vector<256xi32>
    %reduce_min3A_76 = vector.multi_reduction <minsi>, %select_n3A_74, %reduce_min3A_75 [1] : vector<256x4096xi32> to vector<256xi32>
    %swap3A_77 = arith.constant 0 : index
    %swap3A_78 = arith.constant 2 : index
    %swap3A_79 = arith.constant 0 : index
    %swap3A_80 = vector.load %arg4[%swap3A_77, %swap3A_78, %swap3A_79] : memref<1x20x256xi32, #tpu.memory_space<vmem>>, vector<1x1x256xi32>
    %swap3A_81 = vector.shape_cast %swap3A_80 : vector<1x1x256xi32> to vector<256xi32>
    %swap3A_82 = vector.shape_cast %reduce_min3A_76 : vector<256xi32> to vector<1x1x256xi32>
    tpu.vector_store %arg4[%swap3A_77, %swap3A_78, %swap3A_79], %swap3A_82 {strides = array<i32>} : memref<1x20x256xi32, #tpu.memory_space<vmem>>, vector<1x1x256xi32>,
    %broadcast_in_dim3A_83 = vector.shape_cast %reduce_min3A_76 : vector<256xi32> to vector<256x1xi32>
    %eq3A_84 = vector.broadcast %broadcast_in_dim3A_83 : vector<256x1xi32> to vector<256x4096xi32>
    %eq3A_85 = arith.cmpi eq, %select_n3A_74, %eq3A_84 : vector<256x4096xi32>
    %jit3A_86 = arith.constant 0xFF800000 : f32
    %broadcast_in_dim3A_87 = vector.broadcast %jit3A_86 : f32 to vector<256x4096xf32>
    %select_n3A_88 = arith.select %eq3A_85, %broadcast_in_dim3A_87, %select_n3A_66 : vector<256x4096xi1>, vector<256x4096xf32>
    %reduce_max3A_89 = arith.constant dense<0xFF800000> : vector<256xf32>
    %reduce_max3A_90 = vector.multi_reduction <maximumf>, %select_n3A_88, %reduce_max3A_89 [1] : vector<256x4096xf32> to vector<256xf32>
    %broadcast_in_dim3A_91 = vector.shape_cast %reduce_max3A_90 : vector<256xf32> to vector<256x1xf32>
    %eq3A_92 = vector.broadcast %broadcast_in_dim3A_91 : vector<256x1xf32> to vector<256x4096xf32>
    %eq3A_93 = arith.cmpf oeq, %select_n3A_88, %eq3A_92 : vector<256x4096xf32>
    %jit3A_94 = arith.constant 4096 : i32
    %broadcast_in_dim3A_95 = vector.broadcast %jit3A_94 : i32 to vector<256x4096xi32>
    %select_n3A_96 = arith.select %eq3A_93, %iota3A, %broadcast_in_dim3A_95 : vector<256x4096xi1>, vector<256x4096xi32>
    %reduce_min3A_97 = arith.constant dense<2147483647> : vector<256xi32>
    %reduce_min3A_98 = vector.multi_reduction <minsi>, %select_n3A_96, %reduce_min3A_97 [1] : vector<256x4096xi32> to vector<256xi32>
    %swap3A_99 = arith.constant 0 : index
    %swap3A_100 = arith.constant 3 : index
    %swap3A_101 = arith.constant 0 : index
    %swap3A_102 = vector.load %arg4[%swap3A_99, %swap3A_100, %swap3A_101] : memref<1x20x256xi32, #tpu.memory_space<vmem>>, vector<1x1x256xi32>
    %swap3A_103 = vector.shape_cast %swap3A_102 : vector<1x1x256xi32> to vector<256xi32>
    %swap3A_104 = vector.shape_cast %reduce_min3A_98 : vector<256xi32> to vector<1x1x256xi32>
    tpu.vector_store %arg4[%swap3A_99, %swap3A_100, %swap3A_101], %swap3A_104 {strides = array<i32>} : memref<1x20x256xi32, #tpu.memory_space<vmem>>, vector<1x1x256xi32>,
    %broadcast_in_dim3A_105 = vector.shape_cast %reduce_min3A_98 : vector<256xi32> to vector<256x1xi32>
    %eq3A_106 = vector.broadcast %broadcast_in_dim3A_105 : vector<256x1xi32> to vector<256x4096xi32>
    %eq3A_107 = arith.cmpi eq, %select_n3A_96, %eq3A_106 : vector<256x4096xi32>
    %jit3A_108 = arith.constant 0xFF800000 : f32
    %broadcast_in_dim3A_109 = vector.broadcast %jit3A_108 : f32 to vector<256x4096xf32>
    %select_n3A_110 = arith.select %eq3A_107, %broadcast_in_dim3A_109, %select_n3A_88 : vector<256x4096xi1>, vector<256x4096xf32>
    %reduce_max3A_111 = arith.constant dense<0xFF800000> : vector<256xf32>
    %reduce_max3A_112 = vector.multi_reduction <maximumf>, %select_n3A_110, %reduce_max3A_111 [1] : vector<256x4096xf32> to vector<256xf32>
    %broadcast_in_dim3A_113 = vector.shape_cast %reduce_max3A_112 : vector<256xf32> to vector<256x1xf32>
    %eq3A_114 = vector.broadcast %broadcast_in_dim3A_113 : vector<256x1xf32> to vector<256x4096xf32>
    %eq3A_115 = arith.cmpf oeq, %select_n3A_110, %eq3A_114 : vector<256x4096xf32>
    %jit3A_116 = arith.constant 4096 : i32
    %broadcast_in_dim3A_117 = vector.broadcast %jit3A_116 : i32 to vector<256x4096xi32>
    %select_n3A_118 = arith.select %eq3A_115, %iota3A, %broadcast_in_dim3A_117 : vector<256x4096xi1>, vector<256x4096xi32>
    %reduce_min3A_119 = arith.constant dense<2147483647> : vector<256xi32>
    %reduce_min3A_120 = vector.multi_reduction <minsi>, %select_n3A_118, %reduce_min3A_119 [1] : vector<256x4096xi32> to vector<256xi32>
    %swap3A_121 = arith.constant 0 : index
    %swap3A_122 = arith.constant 4 : index
    %swap3A_123 = arith.constant 0 : index
    %swap3A_124 = vector.load %arg4[%swap3A_121, %swap3A_122, %swap3A_123] : memref<1x20x256xi32, #tpu.memory_space<vmem>>, vector<1x1x256xi32>
    %swap3A_125 = vector.shape_cast %swap3A_124 : vector<1x1x256xi32> to vector<256xi32>
    %swap3A_126 = vector.shape_cast %reduce_min3A_120 : vector<256xi32> to vector<1x1x256xi32>
    tpu.vector_store %arg4[%swap3A_121, %swap3A_122, %swap3A_123], %swap3A_126 {strides = array<i32>} : memref<1x20x256xi32, #tpu.memory_space<vmem>>, vector<1x1x256xi32>,
    %broadcast_in_dim3A_127 = vector.shape_cast %reduce_min3A_120 : vector<256xi32> to vector<256x1xi32>
    %eq3A_128 = vector.broadcast %broadcast_in_dim3A_127 : vector<256x1xi32> to vector<256x4096xi32>
    %eq3A_129 = arith.cmpi eq, %select_n3A_118, %eq3A_128 : vector<256x4096xi32>
    %jit3A_130 = arith.constant 0xFF800000 : f32
    %broadcast_in_dim3A_131 = vector.broadcast %jit3A_130 : f32 to vector<256x4096xf32>
    %select_n3A_132 = arith.select %eq3A_129, %broadcast_in_dim3A_131, %select_n3A_110 : vector<256x4096xi1>, vector<256x4096xf32>
    %reduce_max3A_133 = arith.constant dense<0xFF800000> : vector<256xf32>
    %reduce_max3A_134 = vector.multi_reduction <maximumf>, %select_n3A_132, %reduce_max3A_133 [1] : vector<256x4096xf32> to vector<256xf32>
    %broadcast_in_dim3A_135 = vector.shape_cast %reduce_max3A_134 : vector<256xf32> to vector<256x1xf32>
    %eq3A_136 = vector.broadcast %broadcast_in_dim3A_135 : vector<256x1xf32> to vector<256x4096xf32>
    %eq3A_137 = arith.cmpf oeq, %select_n3A_132, %eq3A_136 : vector<256x4096xf32>
    %jit3A_138 = arith.constant 4096 : i32
    %broadcast_in_dim3A_139 = vector.broadcast %jit3A_138 : i32 to vector<256x4096xi32>
    %select_n3A_140 = arith.select %eq3A_137, %iota3A, %broadcast_in_dim3A_139 : vector<256x4096xi1>, vector<256x4096xi32>
    %reduce_min3A_141 = arith.constant dense<2147483647> : vector<256xi32>
    %reduce_min3A_142 = vector.multi_reduction <minsi>, %select_n3A_140, %reduce_min3A_141 [1] : vector<256x4096xi32> to vector<256xi32>
    %swap3A_143 = arith.constant 0 : index
    %swap3A_144 = arith.constant 5 : index
    %swap3A_145 = arith.constant 0 : index
    %swap3A_146 = vector.load %arg4[%swap3A_143, %swap3A_144, %swap3A_145] : memref<1x20x256xi32, #tpu.memory_space<vmem>>, vector<1x1x256xi32>
    %swap3A_147 = vector.shape_cast %swap3A_146 : vector<1x1x256xi32> to vector<256xi32>
    %swap3A_148 = vector.shape_cast %reduce_min3A_142 : vector<256xi32> to vector<1x1x256xi32>
    tpu.vector_store %arg4[%swap3A_143, %swap3A_144, %swap3A_145], %swap3A_148 {strides = array<i32>} : memref<1x20x256xi32, #tpu.memory_space<vmem>>, vector<1x1x256xi32>,
    %broadcast_in_dim3A_149 = vector.shape_cast %reduce_min3A_142 : vector<256xi32> to vector<256x1xi32>
    %eq3A_150 = vector.broadcast %broadcast_in_dim3A_149 : vector<256x1xi32> to vector<256x4096xi32>
    %eq3A_151 = arith.cmpi eq, %select_n3A_140, %eq3A_150 : vector<256x4096xi32>
    %jit3A_152 = arith.constant 0xFF800000 : f32
    %broadcast_in_dim3A_153 = vector.broadcast %jit3A_152 : f32 to vector<256x4096xf32>
    %select_n3A_154 = arith.select %eq3A_151, %broadcast_in_dim3A_153, %select_n3A_132 : vector<256x4096xi1>, vector<256x4096xf32>
    %reduce_max3A_155 = arith.constant dense<0xFF800000> : vector<256xf32>
    %reduce_max3A_156 = vector.multi_reduction <maximumf>, %select_n3A_154, %reduce_max3A_155 [1] : vector<256x4096xf32> to vector<256xf32>
    %broadcast_in_dim3A_157 = vector.shape_cast %reduce_max3A_156 : vector<256xf32> to vector<256x1xf32>
    %eq3A_158 = vector.broadcast %broadcast_in_dim3A_157 : vector<256x1xf32> to vector<256x4096xf32>
    %eq3A_159 = arith.cmpf oeq, %select_n3A_154, %eq3A_158 : vector<256x4096xf32>
    %jit3A_160 = arith.constant 4096 : i32
    %broadcast_in_dim3A_161 = vector.broadcast %jit3A_160 : i32 to vector<256x4096xi32>
    %select_n3A_162 = arith.select %eq3A_159, %iota3A, %broadcast_in_dim3A_161 : vector<256x4096xi1>, vector<256x4096xi32>
    %reduce_min3A_163 = arith.constant dense<2147483647> : vector<256xi32>
    %reduce_min3A_164 = vector.multi_reduction <minsi>, %select_n3A_162, %reduce_min3A_163 [1] : vector<256x4096xi32> to vector<256xi32>
    %swap3A_165 = arith.constant 0 : index
    %swap3A_166 = arith.constant 6 : index
    %swap3A_167 = arith.constant 0 : index
    %swap3A_168 = vector.load %arg4[%swap3A_165, %swap3A_166, %swap3A_167] : memref<1x20x256xi32, #tpu.memory_space<vmem>>, vector<1x1x256xi32>
    %swap3A_169 = vector.shape_cast %swap3A_168 : vector<1x1x256xi32> to vector<256xi32>
    %swap3A_170 = vector.shape_cast %reduce_min3A_164 : vector<256xi32> to vector<1x1x256xi32>
    tpu.vector_store %arg4[%swap3A_165, %swap3A_166, %swap3A_167], %swap3A_170 {strides = array<i32>} : memref<1x20x256xi32, #tpu.memory_space<vmem>>, vector<1x1x256xi32>,
    %broadcast_in_dim3A_171 = vector.shape_cast %reduce_min3A_164 : vector<256xi32> to vector<256x1xi32>
    %eq3A_172 = vector.broadcast %broadcast_in_dim3A_171 : vector<256x1xi32> to vector<256x4096xi32>
    %eq3A_173 = arith.cmpi eq, %select_n3A_162, %eq3A_172 : vector<256x4096xi32>
    %jit3A_174 = arith.constant 0xFF800000 : f32
    %broadcast_in_dim3A_175 = vector.broadcast %jit3A_174 : f32 to vector<256x4096xf32>
    %select_n3A_176 = arith.select %eq3A_173, %broadcast_in_dim3A_175, %select_n3A_154 : vector<256x4096xi1>, vector<256x4096xf32>
    %reduce_max3A_177 = arith.constant dense<0xFF800000> : vector<256xf32>
    %reduce_max3A_178 = vector.multi_reduction <maximumf>, %select_n3A_176, %reduce_max3A_177 [1] : vector<256x4096xf32> to vector<256xf32>
    %broadcast_in_dim3A_179 = vector.shape_cast %reduce_max3A_178 : vector<256xf32> to vector<256x1xf32>
    %eq3A_180 = vector.broadcast %broadcast_in_dim3A_179 : vector<256x1xf32> to vector<256x4096xf32>
    %eq3A_181 = arith.cmpf oeq, %select_n3A_176, %eq3A_180 : vector<256x4096xf32>
    %jit3A_182 = arith.constant 4096 : i32
    %broadcast_in_dim3A_183 = vector.broadcast %jit3A_182 : i32 to vector<256x4096xi32>
    %select_n3A_184 = arith.select %eq3A_181, %iota3A, %broadcast_in_dim3A_183 : vector<256x4096xi1>, vector<256x4096xi32>
    %reduce_min3A_185 = arith.constant dense<2147483647> : vector<256xi32>
    %reduce_min3A_186 = vector.multi_reduction <minsi>, %select_n3A_184, %reduce_min3A_185 [1] : vector<256x4096xi32> to vector<256xi32>
    %swap3A_187 = arith.constant 0 : index
    %swap3A_188 = arith.constant 7 : index
    %swap3A_189 = arith.constant 0 : index
    %swap3A_190 = vector.load %arg4[%swap3A_187, %swap3A_188, %swap3A_189] : memref<1x20x256xi32, #tpu.memory_space<vmem>>, vector<1x1x256xi32>
    %swap3A_191 = vector.shape_cast %swap3A_190 : vector<1x1x256xi32> to vector<256xi32>
    %swap3A_192 = vector.shape_cast %reduce_min3A_186 : vector<256xi32> to vector<1x1x256xi32>
    tpu.vector_store %arg4[%swap3A_187, %swap3A_188, %swap3A_189], %swap3A_192 {strides = array<i32>} : memref<1x20x256xi32, #tpu.memory_space<vmem>>, vector<1x1x256xi32>,
    %broadcast_in_dim3A_193 = vector.shape_cast %reduce_min3A_186 : vector<256xi32> to vector<256x1xi32>
    %eq3A_194 = vector.broadcast %broadcast_in_dim3A_193 : vector<256x1xi32> to vector<256x4096xi32>
    %eq3A_195 = arith.cmpi eq, %select_n3A_184, %eq3A_194 : vector<256x4096xi32>
    %jit3A_196 = arith.constant 0xFF800000 : f32
    %broadcast_in_dim3A_197 = vector.broadcast %jit3A_196 : f32 to vector<256x4096xf32>
    %select_n3A_198 = arith.select %eq3A_195, %broadcast_in_dim3A_197, %select_n3A_176 : vector<256x4096xi1>, vector<256x4096xf32>
    %reduce_max3A_199 = arith.constant dense<0xFF800000> : vector<256xf32>
    %reduce_max3A_200 = vector.multi_reduction <maximumf>, %select_n3A_198, %reduce_max3A_199 [1] : vector<256x4096xf32> to vector<256xf32>
    %broadcast_in_dim3A_201 = vector.shape_cast %reduce_max3A_200 : vector<256xf32> to vector<256x1xf32>
    %eq3A_202 = vector.broadcast %broadcast_in_dim3A_201 : vector<256x1xf32> to vector<256x4096xf32>
    %eq3A_203 = arith.cmpf oeq, %select_n3A_198, %eq3A_202 : vector<256x4096xf32>
    %jit3A_204 = arith.constant 4096 : i32
    %broadcast_in_dim3A_205 = vector.broadcast %jit3A_204 : i32 to vector<256x4096xi32>
    %select_n3A_206 = arith.select %eq3A_203, %iota3A, %broadcast_in_dim3A_205 : vector<256x4096xi1>, vector<256x4096xi32>
    %reduce_min3A_207 = arith.constant dense<2147483647> : vector<256xi32>
    %reduce_min3A_208 = vector.multi_reduction <minsi>, %select_n3A_206, %reduce_min3A_207 [1] : vector<256x4096xi32> to vector<256xi32>
    %swap3A_209 = arith.constant 0 : index
    %swap3A_210 = arith.constant 8 : index
    %swap3A_211 = arith.constant 0 : index
    %swap3A_212 = vector.load %arg4[%swap3A_209, %swap3A_210, %swap3A_211] : memref<1x20x256xi32, #tpu.memory_space<vmem>>, vector<1x1x256xi32>
    %swap3A_213 = vector.shape_cast %swap3A_212 : vector<1x1x256xi32> to vector<256xi32>
    %swap3A_214 = vector.shape_cast %reduce_min3A_208 : vector<256xi32> to vector<1x1x256xi32>
    tpu.vector_store %arg4[%swap3A_209, %swap3A_210, %swap3A_211], %swap3A_214 {strides = array<i32>} : memref<1x20x256xi32, #tpu.memory_space<vmem>>, vector<1x1x256xi32>,
    %broadcast_in_dim3A_215 = vector.shape_cast %reduce_min3A_208 : vector<256xi32> to vector<256x1xi32>
    %eq3A_216 = vector.broadcast %broadcast_in_dim3A_215 : vector<256x1xi32> to vector<256x4096xi32>
    %eq3A_217 = arith.cmpi eq, %select_n3A_206, %eq3A_216 : vector<256x4096xi32>
    %jit3A_218 = arith.constant 0xFF800000 : f32
    %broadcast_in_dim3A_219 = vector.broadcast %jit3A_218 : f32 to vector<256x4096xf32>
    %select_n3A_220 = arith.select %eq3A_217, %broadcast_in_dim3A_219, %select_n3A_198 : vector<256x4096xi1>, vector<256x4096xf32>
    %reduce_max3A_221 = arith.constant dense<0xFF800000> : vector<256xf32>
    %reduce_max3A_222 = vector.multi_reduction <maximumf>, %select_n3A_220, %reduce_max3A_221 [1] : vector<256x4096xf32> to vector<256xf32>
    %broadcast_in_dim3A_223 = vector.shape_cast %reduce_max3A_222 : vector<256xf32> to vector<256x1xf32>
    %eq3A_224 = vector.broadcast %broadcast_in_dim3A_223 : vector<256x1xf32> to vector<256x4096xf32>
    %eq3A_225 = arith.cmpf oeq, %select_n3A_220, %eq3A_224 : vector<256x4096xf32>
    %jit3A_226 = arith.constant 4096 : i32
    %broadcast_in_dim3A_227 = vector.broadcast %jit3A_226 : i32 to vector<256x4096xi32>
    %select_n3A_228 = arith.select %eq3A_225, %iota3A, %broadcast_in_dim3A_227 : vector<256x4096xi1>, vector<256x4096xi32>
    %reduce_min3A_229 = arith.constant dense<2147483647> : vector<256xi32>
    %reduce_min3A_230 = vector.multi_reduction <minsi>, %select_n3A_228, %reduce_min3A_229 [1] : vector<256x4096xi32> to vector<256xi32>
    %swap3A_231 = arith.constant 0 : index
    %swap3A_232 = arith.constant 9 : index
    %swap3A_233 = arith.constant 0 : index
    %swap3A_234 = vector.load %arg4[%swap3A_231, %swap3A_232, %swap3A_233] : memref<1x20x256xi32, #tpu.memory_space<vmem>>, vector<1x1x256xi32>
    %swap3A_235 = vector.shape_cast %swap3A_234 : vector<1x1x256xi32> to vector<256xi32>
    %swap3A_236 = vector.shape_cast %reduce_min3A_230 : vector<256xi32> to vector<1x1x256xi32>
    tpu.vector_store %arg4[%swap3A_231, %swap3A_232, %swap3A_233], %swap3A_236 {strides = array<i32>} : memref<1x20x256xi32, #tpu.memory_space<vmem>>, vector<1x1x256xi32>,
    %broadcast_in_dim3A_237 = vector.shape_cast %reduce_min3A_230 : vector<256xi32> to vector<256x1xi32>
    %eq3A_238 = vector.broadcast %broadcast_in_dim3A_237 : vector<256x1xi32> to vector<256x4096xi32>
    %eq3A_239 = arith.cmpi eq, %select_n3A_228, %eq3A_238 : vector<256x4096xi32>
    %jit3A_240 = arith.constant 0xFF800000 : f32
    %broadcast_in_dim3A_241 = vector.broadcast %jit3A_240 : f32 to vector<256x4096xf32>
    %select_n3A_242 = arith.select %eq3A_239, %broadcast_in_dim3A_241, %select_n3A_220 : vector<256x4096xi1>, vector<256x4096xf32>
    %reduce_max3A_243 = arith.constant dense<0xFF800000> : vector<256xf32>
    %reduce_max3A_244 = vector.multi_reduction <maximumf>, %select_n3A_242, %reduce_max3A_243 [1] : vector<256x4096xf32> to vector<256xf32>
    %broadcast_in_dim3A_245 = vector.shape_cast %reduce_max3A_244 : vector<256xf32> to vector<256x1xf32>
    %eq3A_246 = vector.broadcast %broadcast_in_dim3A_245 : vector<256x1xf32> to vector<256x4096xf32>
    %eq3A_247 = arith.cmpf oeq, %select_n3A_242, %eq3A_246 : vector<256x4096xf32>
    %jit3A_248 = arith.constant 4096 : i32
    %broadcast_in_dim3A_249 = vector.broadcast %jit3A_248 : i32 to vector<256x4096xi32>
    %select_n3A_250 = arith.select %eq3A_247, %iota3A, %broadcast_in_dim3A_249 : vector<256x4096xi1>, vector<256x4096xi32>
    %reduce_min3A_251 = arith.constant dense<2147483647> : vector<256xi32>
    %reduce_min3A_252 = vector.multi_reduction <minsi>, %select_n3A_250, %reduce_min3A_251 [1] : vector<256x4096xi32> to vector<256xi32>
    %swap3A_253 = arith.constant 0 : index
    %swap3A_254 = arith.constant 10 : index
    %swap3A_255 = arith.constant 0 : index
    %swap3A_256 = vector.load %arg4[%swap3A_253, %swap3A_254, %swap3A_255] : memref<1x20x256xi32, #tpu.memory_space<vmem>>, vector<1x1x256xi32>
    %swap3A_257 = vector.shape_cast %swap3A_256 : vector<1x1x256xi32> to vector<256xi32>
    %swap3A_258 = vector.shape_cast %reduce_min3A_252 : vector<256xi32> to vector<1x1x256xi32>
    tpu.vector_store %arg4[%swap3A_253, %swap3A_254, %swap3A_255], %swap3A_258 {strides = array<i32>} : memref<1x20x256xi32, #tpu.memory_space<vmem>>, vector<1x1x256xi32>,
    %broadcast_in_dim3A_259 = vector.shape_cast %reduce_min3A_252 : vector<256xi32> to vector<256x1xi32>
    %eq3A_260 = vector.broadcast %broadcast_in_dim3A_259 : vector<256x1xi32> to vector<256x4096xi32>
    %eq3A_261 = arith.cmpi eq, %select_n3A_250, %eq3A_260 : vector<256x4096xi32>
    %jit3A_262 = arith.constant 0xFF800000 : f32
    %broadcast_in_dim3A_263 = vector.broadcast %jit3A_262 : f32 to vector<256x4096xf32>
    %select_n3A_264 = arith.select %eq3A_261, %broadcast_in_dim3A_263, %select_n3A_242 : vector<256x4096xi1>, vector<256x4096xf32>
    %reduce_max3A_265 = arith.constant dense<0xFF800000> : vector<256xf32>
    %reduce_max3A_266 = vector.multi_reduction <maximumf>, %select_n3A_264, %reduce_max3A_265 [1] : vector<256x4096xf32> to vector<256xf32>
    %broadcast_in_dim3A_267 = vector.shape_cast %reduce_max3A_266 : vector<256xf32> to vector<256x1xf32>
    %eq3A_268 = vector.broadcast %broadcast_in_dim3A_267 : vector<256x1xf32> to vector<256x4096xf32>
    %eq3A_269 = arith.cmpf oeq, %select_n3A_264, %eq3A_268 : vector<256x4096xf32>
    %jit3A_270 = arith.constant 4096 : i32
    %broadcast_in_dim3A_271 = vector.broadcast %jit3A_270 : i32 to vector<256x4096xi32>
    %select_n3A_272 = arith.select %eq3A_269, %iota3A, %broadcast_in_dim3A_271 : vector<256x4096xi1>, vector<256x4096xi32>
    %reduce_min3A_273 = arith.constant dense<2147483647> : vector<256xi32>
    %reduce_min3A_274 = vector.multi_reduction <minsi>, %select_n3A_272, %reduce_min3A_273 [1] : vector<256x4096xi32> to vector<256xi32>
    %swap3A_275 = arith.constant 0 : index
    %swap3A_276 = arith.constant 11 : index
    %swap3A_277 = arith.constant 0 : index
    %swap3A_278 = vector.load %arg4[%swap3A_275, %swap3A_276, %swap3A_277] : memref<1x20x256xi32, #tpu.memory_space<vmem>>, vector<1x1x256xi32>
    %swap3A_279 = vector.shape_cast %swap3A_278 : vector<1x1x256xi32> to vector<256xi32>
    %swap3A_280 = vector.shape_cast %reduce_min3A_274 : vector<256xi32> to vector<1x1x256xi32>
    tpu.vector_store %arg4[%swap3A_275, %swap3A_276, %swap3A_277], %swap3A_280 {strides = array<i32>} : memref<1x20x256xi32, #tpu.memory_space<vmem>>, vector<1x1x256xi32>,
    %broadcast_in_dim3A_281 = vector.shape_cast %reduce_min3A_274 : vector<256xi32> to vector<256x1xi32>
    %eq3A_282 = vector.broadcast %broadcast_in_dim3A_281 : vector<256x1xi32> to vector<256x4096xi32>
    %eq3A_283 = arith.cmpi eq, %select_n3A_272, %eq3A_282 : vector<256x4096xi32>
    %jit3A_284 = arith.constant 0xFF800000 : f32
    %broadcast_in_dim3A_285 = vector.broadcast %jit3A_284 : f32 to vector<256x4096xf32>
    %select_n3A_286 = arith.select %eq3A_283, %broadcast_in_dim3A_285, %select_n3A_264 : vector<256x4096xi1>, vector<256x4096xf32>
    %reduce_max3A_287 = arith.constant dense<0xFF800000> : vector<256xf32>
    %reduce_max3A_288 = vector.multi_reduction <maximumf>, %select_n3A_286, %reduce_max3A_287 [1] : vector<256x4096xf32> to vector<256xf32>
    %broadcast_in_dim3A_289 = vector.shape_cast %reduce_max3A_288 : vector<256xf32> to vector<256x1xf32>
    %eq3A_290 = vector.broadcast %broadcast_in_dim3A_289 : vector<256x1xf32> to vector<256x4096xf32>
    %eq3A_291 = arith.cmpf oeq, %select_n3A_286, %eq3A_290 : vector<256x4096xf32>
    %jit3A_292 = arith.constant 4096 : i32
    %broadcast_in_dim3A_293 = vector.broadcast %jit3A_292 : i32 to vector<256x4096xi32>
    %select_n3A_294 = arith.select %eq3A_291, %iota3A, %broadcast_in_dim3A_293 : vector<256x4096xi1>, vector<256x4096xi32>
    %reduce_min3A_295 = arith.constant dense<2147483647> : vector<256xi32>
    %reduce_min3A_296 = vector.multi_reduction <minsi>, %select_n3A_294, %reduce_min3A_295 [1] : vector<256x4096xi32> to vector<256xi32>
    %swap3A_297 = arith.constant 0 : index
    %swap3A_298 = arith.constant 12 : index
    %swap3A_299 = arith.constant 0 : index
    %swap3A_300 = vector.load %arg4[%swap3A_297, %swap3A_298, %swap3A_299] : memref<1x20x256xi32, #tpu.memory_space<vmem>>, vector<1x1x256xi32>
    %swap3A_301 = vector.shape_cast %swap3A_300 : vector<1x1x256xi32> to vector<256xi32>
    %swap3A_302 = vector.shape_cast %reduce_min3A_296 : vector<256xi32> to vector<1x1x256xi32>
    tpu.vector_store %arg4[%swap3A_297, %swap3A_298, %swap3A_299], %swap3A_302 {strides = array<i32>} : memref<1x20x256xi32, #tpu.memory_space<vmem>>, vector<1x1x256xi32>,
    %broadcast_in_dim3A_303 = vector.shape_cast %reduce_min3A_296 : vector<256xi32> to vector<256x1xi32>
    %eq3A_304 = vector.broadcast %broadcast_in_dim3A_303 : vector<256x1xi32> to vector<256x4096xi32>
    %eq3A_305 = arith.cmpi eq, %select_n3A_294, %eq3A_304 : vector<256x4096xi32>
    %jit3A_306 = arith.constant 0xFF800000 : f32
    %broadcast_in_dim3A_307 = vector.broadcast %jit3A_306 : f32 to vector<256x4096xf32>
    %select_n3A_308 = arith.select %eq3A_305, %broadcast_in_dim3A_307, %select_n3A_286 : vector<256x4096xi1>, vector<256x4096xf32>
    %reduce_max3A_309 = arith.constant dense<0xFF800000> : vector<256xf32>
    %reduce_max3A_310 = vector.multi_reduction <maximumf>, %select_n3A_308, %reduce_max3A_309 [1] : vector<256x4096xf32> to vector<256xf32>
    %broadcast_in_dim3A_311 = vector.shape_cast %reduce_max3A_310 : vector<256xf32> to vector<256x1xf32>
    %eq3A_312 = vector.broadcast %broadcast_in_dim3A_311 : vector<256x1xf32> to vector<256x4096xf32>
    %eq3A_313 = arith.cmpf oeq, %select_n3A_308, %eq3A_312 : vector<256x4096xf32>
    %jit3A_314 = arith.constant 4096 : i32
    %broadcast_in_dim3A_315 = vector.broadcast %jit3A_314 : i32 to vector<256x4096xi32>
    %select_n3A_316 = arith.select %eq3A_313, %iota3A, %broadcast_in_dim3A_315 : vector<256x4096xi1>, vector<256x4096xi32>
    %reduce_min3A_317 = arith.constant dense<2147483647> : vector<256xi32>
    %reduce_min3A_318 = vector.multi_reduction <minsi>, %select_n3A_316, %reduce_min3A_317 [1] : vector<256x4096xi32> to vector<256xi32>
    %swap3A_319 = arith.constant 0 : index
    %swap3A_320 = arith.constant 13 : index
    %swap3A_321 = arith.constant 0 : index
    %swap3A_322 = vector.load %arg4[%swap3A_319, %swap3A_320, %swap3A_321] : memref<1x20x256xi32, #tpu.memory_space<vmem>>, vector<1x1x256xi32>
    %swap3A_323 = vector.shape_cast %swap3A_322 : vector<1x1x256xi32> to vector<256xi32>
    %swap3A_324 = vector.shape_cast %reduce_min3A_318 : vector<256xi32> to vector<1x1x256xi32>
    tpu.vector_store %arg4[%swap3A_319, %swap3A_320, %swap3A_321], %swap3A_324 {strides = array<i32>} : memref<1x20x256xi32, #tpu.memory_space<vmem>>, vector<1x1x256xi32>,
    %broadcast_in_dim3A_325 = vector.shape_cast %reduce_min3A_318 : vector<256xi32> to vector<256x1xi32>
    %eq3A_326 = vector.broadcast %broadcast_in_dim3A_325 : vector<256x1xi32> to vector<256x4096xi32>
    %eq3A_327 = arith.cmpi eq, %select_n3A_316, %eq3A_326 : vector<256x4096xi32>
    %jit3A_328 = arith.constant 0xFF800000 : f32
    %broadcast_in_dim3A_329 = vector.broadcast %jit3A_328 : f32 to vector<256x4096xf32>
    %select_n3A_330 = arith.select %eq3A_327, %broadcast_in_dim3A_329, %select_n3A_308 : vector<256x4096xi1>, vector<256x4096xf32>
    %reduce_max3A_331 = arith.constant dense<0xFF800000> : vector<256xf32>
    %reduce_max3A_332 = vector.multi_reduction <maximumf>, %select_n3A_330, %reduce_max3A_331 [1] : vector<256x4096xf32> to vector<256xf32>
    %broadcast_in_dim3A_333 = vector.shape_cast %reduce_max3A_332 : vector<256xf32> to vector<256x1xf32>
    %eq3A_334 = vector.broadcast %broadcast_in_dim3A_333 : vector<256x1xf32> to vector<256x4096xf32>
    %eq3A_335 = arith.cmpf oeq, %select_n3A_330, %eq3A_334 : vector<256x4096xf32>
    %jit3A_336 = arith.constant 4096 : i32
    %broadcast_in_dim3A_337 = vector.broadcast %jit3A_336 : i32 to vector<256x4096xi32>
    %select_n3A_338 = arith.select %eq3A_335, %iota3A, %broadcast_in_dim3A_337 : vector<256x4096xi1>, vector<256x4096xi32>
    %reduce_min3A_339 = arith.constant dense<2147483647> : vector<256xi32>
    %reduce_min3A_340 = vector.multi_reduction <minsi>, %select_n3A_338, %reduce_min3A_339 [1] : vector<256x4096xi32> to vector<256xi32>
    %swap3A_341 = arith.constant 0 : index
    %swap3A_342 = arith.constant 14 : index
    %swap3A_343 = arith.constant 0 : index
    %swap3A_344 = vector.load %arg4[%swap3A_341, %swap3A_342, %swap3A_343] : memref<1x20x256xi32, #tpu.memory_space<vmem>>, vector<1x1x256xi32>
    %swap3A_345 = vector.shape_cast %swap3A_344 : vector<1x1x256xi32> to vector<256xi32>
    %swap3A_346 = vector.shape_cast %reduce_min3A_340 : vector<256xi32> to vector<1x1x256xi32>
    tpu.vector_store %arg4[%swap3A_341, %swap3A_342, %swap3A_343], %swap3A_346 {strides = array<i32>} : memref<1x20x256xi32, #tpu.memory_space<vmem>>, vector<1x1x256xi32>,
    %broadcast_in_dim3A_347 = vector.shape_cast %reduce_min3A_340 : vector<256xi32> to vector<256x1xi32>
    %eq3A_348 = vector.broadcast %broadcast_in_dim3A_347 : vector<256x1xi32> to vector<256x4096xi32>
    %eq3A_349 = arith.cmpi eq, %select_n3A_338, %eq3A_348 : vector<256x4096xi32>
    %jit3A_350 = arith.constant 0xFF800000 : f32
    %broadcast_in_dim3A_351 = vector.broadcast %jit3A_350 : f32 to vector<256x4096xf32>
    %select_n3A_352 = arith.select %eq3A_349, %broadcast_in_dim3A_351, %select_n3A_330 : vector<256x4096xi1>, vector<256x4096xf32>
    %reduce_max3A_353 = arith.constant dense<0xFF800000> : vector<256xf32>
    %reduce_max3A_354 = vector.multi_reduction <maximumf>, %select_n3A_352, %reduce_max3A_353 [1] : vector<256x4096xf32> to vector<256xf32>
    %broadcast_in_dim3A_355 = vector.shape_cast %reduce_max3A_354 : vector<256xf32> to vector<256x1xf32>
    %eq3A_356 = vector.broadcast %broadcast_in_dim3A_355 : vector<256x1xf32> to vector<256x4096xf32>
    %eq3A_357 = arith.cmpf oeq, %select_n3A_352, %eq3A_356 : vector<256x4096xf32>
    %jit3A_358 = arith.constant 4096 : i32
    %broadcast_in_dim3A_359 = vector.broadcast %jit3A_358 : i32 to vector<256x4096xi32>
    %select_n3A_360 = arith.select %eq3A_357, %iota3A, %broadcast_in_dim3A_359 : vector<256x4096xi1>, vector<256x4096xi32>
    %reduce_min3A_361 = arith.constant dense<2147483647> : vector<256xi32>
    %reduce_min3A_362 = vector.multi_reduction <minsi>, %select_n3A_360, %reduce_min3A_361 [1] : vector<256x4096xi32> to vector<256xi32>
    %swap3A_363 = arith.constant 0 : index
    %swap3A_364 = arith.constant 15 : index
    %swap3A_365 = arith.constant 0 : index
    %swap3A_366 = vector.load %arg4[%swap3A_363, %swap3A_364, %swap3A_365] : memref<1x20x256xi32, #tpu.memory_space<vmem>>, vector<1x1x256xi32>
    %swap3A_367 = vector.shape_cast %swap3A_366 : vector<1x1x256xi32> to vector<256xi32>
    %swap3A_368 = vector.shape_cast %reduce_min3A_362 : vector<256xi32> to vector<1x1x256xi32>
    tpu.vector_store %arg4[%swap3A_363, %swap3A_364, %swap3A_365], %swap3A_368 {strides = array<i32>} : memref<1x20x256xi32, #tpu.memory_space<vmem>>, vector<1x1x256xi32>,
    %broadcast_in_dim3A_369 = vector.shape_cast %reduce_min3A_362 : vector<256xi32> to vector<256x1xi32>
    %eq3A_370 = vector.broadcast %broadcast_in_dim3A_369 : vector<256x1xi32> to vector<256x4096xi32>
    %eq3A_371 = arith.cmpi eq, %select_n3A_360, %eq3A_370 : vector<256x4096xi32>
    %jit3A_372 = arith.constant 0xFF800000 : f32
    %broadcast_in_dim3A_373 = vector.broadcast %jit3A_372 : f32 to vector<256x4096xf32>
    %select_n3A_374 = arith.select %eq3A_371, %broadcast_in_dim3A_373, %select_n3A_352 : vector<256x4096xi1>, vector<256x4096xf32>
    %reduce_max3A_375 = arith.constant dense<0xFF800000> : vector<256xf32>
    %reduce_max3A_376 = vector.multi_reduction <maximumf>, %select_n3A_374, %reduce_max3A_375 [1] : vector<256x4096xf32> to vector<256xf32>
    %broadcast_in_dim3A_377 = vector.shape_cast %reduce_max3A_376 : vector<256xf32> to vector<256x1xf32>
    %eq3A_378 = vector.broadcast %broadcast_in_dim3A_377 : vector<256x1xf32> to vector<256x4096xf32>
    %eq3A_379 = arith.cmpf oeq, %select_n3A_374, %eq3A_378 : vector<256x4096xf32>
    %jit3A_380 = arith.constant 4096 : i32
    %broadcast_in_dim3A_381 = vector.broadcast %jit3A_380 : i32 to vector<256x4096xi32>
    %select_n3A_382 = arith.select %eq3A_379, %iota3A, %broadcast_in_dim3A_381 : vector<256x4096xi1>, vector<256x4096xi32>
    %reduce_min3A_383 = arith.constant dense<2147483647> : vector<256xi32>
    %reduce_min3A_384 = vector.multi_reduction <minsi>, %select_n3A_382, %reduce_min3A_383 [1] : vector<256x4096xi32> to vector<256xi32>
    %swap3A_385 = arith.constant 0 : index
    %swap3A_386 = arith.constant 16 : index
    %swap3A_387 = arith.constant 0 : index
    %swap3A_388 = vector.load %arg4[%swap3A_385, %swap3A_386, %swap3A_387] : memref<1x20x256xi32, #tpu.memory_space<vmem>>, vector<1x1x256xi32>
    %swap3A_389 = vector.shape_cast %swap3A_388 : vector<1x1x256xi32> to vector<256xi32>
    %swap3A_390 = vector.shape_cast %reduce_min3A_384 : vector<256xi32> to vector<1x1x256xi32>
    tpu.vector_store %arg4[%swap3A_385, %swap3A_386, %swap3A_387], %swap3A_390 {strides = array<i32>} : memref<1x20x256xi32, #tpu.memory_space<vmem>>, vector<1x1x256xi32>,
    %broadcast_in_dim3A_391 = vector.shape_cast %reduce_min3A_384 : vector<256xi32> to vector<256x1xi32>
    %eq3A_392 = vector.broadcast %broadcast_in_dim3A_391 : vector<256x1xi32> to vector<256x4096xi32>
    %eq3A_393 = arith.cmpi eq, %select_n3A_382, %eq3A_392 : vector<256x4096xi32>
    %jit3A_394 = arith.constant 0xFF800000 : f32
    %broadcast_in_dim3A_395 = vector.broadcast %jit3A_394 : f32 to vector<256x4096xf32>
    %select_n3A_396 = arith.select %eq3A_393, %broadcast_in_dim3A_395, %select_n3A_374 : vector<256x4096xi1>, vector<256x4096xf32>
    %reduce_max3A_397 = arith.constant dense<0xFF800000> : vector<256xf32>
    %reduce_max3A_398 = vector.multi_reduction <maximumf>, %select_n3A_396, %reduce_max3A_397 [1] : vector<256x4096xf32> to vector<256xf32>
    %broadcast_in_dim3A_399 = vector.shape_cast %reduce_max3A_398 : vector<256xf32> to vector<256x1xf32>
    %eq3A_400 = vector.broadcast %broadcast_in_dim3A_399 : vector<256x1xf32> to vector<256x4096xf32>
    %eq3A_401 = arith.cmpf oeq, %select_n3A_396, %eq3A_400 : vector<256x4096xf32>
    %jit3A_402 = arith.constant 4096 : i32
    %broadcast_in_dim3A_403 = vector.broadcast %jit3A_402 : i32 to vector<256x4096xi32>
    %select_n3A_404 = arith.select %eq3A_401, %iota3A, %broadcast_in_dim3A_403 : vector<256x4096xi1>, vector<256x4096xi32>
    %reduce_min3A_405 = arith.constant dense<2147483647> : vector<256xi32>
    %reduce_min3A_406 = vector.multi_reduction <minsi>, %select_n3A_404, %reduce_min3A_405 [1] : vector<256x4096xi32> to vector<256xi32>
    %swap3A_407 = arith.constant 0 : index
    %swap3A_408 = arith.constant 17 : index
    %swap3A_409 = arith.constant 0 : index
    %swap3A_410 = vector.load %arg4[%swap3A_407, %swap3A_408, %swap3A_409] : memref<1x20x256xi32, #tpu.memory_space<vmem>>, vector<1x1x256xi32>
    %swap3A_411 = vector.shape_cast %swap3A_410 : vector<1x1x256xi32> to vector<256xi32>
    %swap3A_412 = vector.shape_cast %reduce_min3A_406 : vector<256xi32> to vector<1x1x256xi32>
    tpu.vector_store %arg4[%swap3A_407, %swap3A_408, %swap3A_409], %swap3A_412 {strides = array<i32>} : memref<1x20x256xi32, #tpu.memory_space<vmem>>, vector<1x1x256xi32>,
    %broadcast_in_dim3A_413 = vector.shape_cast %reduce_min3A_406 : vector<256xi32> to vector<256x1xi32>
    %eq3A_414 = vector.broadcast %broadcast_in_dim3A_413 : vector<256x1xi32> to vector<256x4096xi32>
    %eq3A_415 = arith.cmpi eq, %select_n3A_404, %eq3A_414 : vector<256x4096xi32>
    %jit3A_416 = arith.constant 0xFF800000 : f32
    %broadcast_in_dim3A_417 = vector.broadcast %jit3A_416 : f32 to vector<256x4096xf32>
    %select_n3A_418 = arith.select %eq3A_415, %broadcast_in_dim3A_417, %select_n3A_396 : vector<256x4096xi1>, vector<256x4096xf32>
    %reduce_max3A_419 = arith.constant dense<0xFF800000> : vector<256xf32>
    %reduce_max3A_420 = vector.multi_reduction <maximumf>, %select_n3A_418, %reduce_max3A_419 [1] : vector<256x4096xf32> to vector<256xf32>
    %broadcast_in_dim3A_421 = vector.shape_cast %reduce_max3A_420 : vector<256xf32> to vector<256x1xf32>
    %eq3A_422 = vector.broadcast %broadcast_in_dim3A_421 : vector<256x1xf32> to vector<256x4096xf32>
    %eq3A_423 = arith.cmpf oeq, %select_n3A_418, %eq3A_422 : vector<256x4096xf32>
    %jit3A_424 = arith.constant 4096 : i32
    %broadcast_in_dim3A_425 = vector.broadcast %jit3A_424 : i32 to vector<256x4096xi32>
    %select_n3A_426 = arith.select %eq3A_423, %iota3A, %broadcast_in_dim3A_425 : vector<256x4096xi1>, vector<256x4096xi32>
    %reduce_min3A_427 = arith.constant dense<2147483647> : vector<256xi32>
    %reduce_min3A_428 = vector.multi_reduction <minsi>, %select_n3A_426, %reduce_min3A_427 [1] : vector<256x4096xi32> to vector<256xi32>
    %swap3A_429 = arith.constant 0 : index
    %swap3A_430 = arith.constant 18 : index
    %swap3A_431 = arith.constant 0 : index
    %swap3A_432 = vector.load %arg4[%swap3A_429, %swap3A_430, %swap3A_431] : memref<1x20x256xi32, #tpu.memory_space<vmem>>, vector<1x1x256xi32>
    %swap3A_433 = vector.shape_cast %swap3A_432 : vector<1x1x256xi32> to vector<256xi32>
    %swap3A_434 = vector.shape_cast %reduce_min3A_428 : vector<256xi32> to vector<1x1x256xi32>
    tpu.vector_store %arg4[%swap3A_429, %swap3A_430, %swap3A_431], %swap3A_434 {strides = array<i32>} : memref<1x20x256xi32, #tpu.memory_space<vmem>>, vector<1x1x256xi32>,
    %broadcast_in_dim3A_435 = vector.shape_cast %reduce_min3A_428 : vector<256xi32> to vector<256x1xi32>
    %eq3A_436 = vector.broadcast %broadcast_in_dim3A_435 : vector<256x1xi32> to vector<256x4096xi32>
    %eq3A_437 = arith.cmpi eq, %select_n3A_426, %eq3A_436 : vector<256x4096xi32>
    %jit3A_438 = arith.constant 0xFF800000 : f32
    %broadcast_in_dim3A_439 = vector.broadcast %jit3A_438 : f32 to vector<256x4096xf32>
    %select_n3A_440 = arith.select %eq3A_437, %broadcast_in_dim3A_439, %select_n3A_418 : vector<256x4096xi1>, vector<256x4096xf32>
    %reduce_max3A_441 = arith.constant dense<0xFF800000> : vector<256xf32>
    %reduce_max3A_442 = vector.multi_reduction <maximumf>, %select_n3A_440, %reduce_max3A_441 [1] : vector<256x4096xf32> to vector<256xf32>
    %broadcast_in_dim3A_443 = vector.shape_cast %reduce_max3A_442 : vector<256xf32> to vector<256x1xf32>
    %eq3A_444 = vector.broadcast %broadcast_in_dim3A_443 : vector<256x1xf32> to vector<256x4096xf32>
    %eq3A_445 = arith.cmpf oeq, %select_n3A_440, %eq3A_444 : vector<256x4096xf32>
    %jit3A_446 = arith.constant 4096 : i32
    %broadcast_in_dim3A_447 = vector.broadcast %jit3A_446 : i32 to vector<256x4096xi32>
    %select_n3A_448 = arith.select %eq3A_445, %iota3A, %broadcast_in_dim3A_447 : vector<256x4096xi1>, vector<256x4096xi32>
    %reduce_min3A_449 = arith.constant dense<2147483647> : vector<256xi32>
    %reduce_min3A_450 = vector.multi_reduction <minsi>, %select_n3A_448, %reduce_min3A_449 [1] : vector<256x4096xi32> to vector<256xi32>
    %swap3A_451 = arith.constant 0 : index
    %swap3A_452 = arith.constant 19 : index
    %swap3A_453 = arith.constant 0 : index
    %swap3A_454 = vector.load %arg4[%swap3A_451, %swap3A_452, %swap3A_453] : memref<1x20x256xi32, #tpu.memory_space<vmem>>, vector<1x1x256xi32>
    %swap3A_455 = vector.shape_cast %swap3A_454 : vector<1x1x256xi32> to vector<256xi32>
    %swap3A_456 = vector.shape_cast %reduce_min3A_450 : vector<256xi32> to vector<1x1x256xi32>
    tpu.vector_store %arg4[%swap3A_451, %swap3A_452, %swap3A_453], %swap3A_456 {strides = array<i32>} : memref<1x20x256xi32, #tpu.memory_space<vmem>>, vector<1x1x256xi32>,
    return
  }
  func.func @transform_0(%arg0: i32, %arg1: i32) -> (i32, i32, i32) {
    %c0_i32 = arith.constant 0 : i32
    %c0_i32_0 = arith.constant 0 : i32
    %c0_i32_1 = arith.constant 0 : i32
    return %arg0, %c0_i32, %c0_i32_0 : i32, i32, i32
  }
  func.func @transform_1(%arg0: i32, %arg1: i32) -> (i32, i32, i32) {
    %c0_i32 = arith.constant 0 : i32
    %c0_i32_0 = arith.constant 0 : i32
    %c0_i32_1 = arith.constant 0 : i32
    return %arg0, %c0_i32, %c0_i32_0 : i32, i32, i32
  }
  func.func @transform_2(%arg0: i32, %arg1: i32) -> (i32, i32, i32) {
    %c0_i32 = arith.constant 0 : i32
    %c0_i32_0 = arith.constant 0 : i32
    return %arg0, %c0_i32, %arg1 : i32, i32, i32
  }
}

</mosaic_0001>

<sc_bundles>
// kernel: kernel.4.cloned.1.call-start
scs
__scs_entry_jumppad:
0x0: {  	(pc) =	sbr.rel $0x88, $3  }
0x1: {  	(tag) =	ssettag $0x0;
	lr =	simm.s32 $0x1  }
0x2: {  	[smem:$0x3F95] =	sst lr;
	_ =	strace $0xD0000000  }
0x3: {  	_ = 	snop  }
0x4: {  	_ = 	snop  }
0x5: {  	_ = 	snop  }
0x6: {  	_ = 	snop  }
0x7: {  	_ = 	snop  }
__scs_overlays_trampoline_lowered:
0x8: {  	[smem:$0x3FA4] =	sst s0  }
0x9: {  	[smem:$0x3FA5] =	sst s1  }
0xa: {  	[smem:$0x3FA6] =	sst s2  }
0xb: {  	[smem:$0x3FA7] =	sst s3  }
0xc: {  	[smem:$0x3FA8] =	sst s4  }
0xd: {  	[smem:$0x3FA9] =	sst s5  }
0xe: {  	[smem:$0x3FAA] =	sst s6  }
0xf: {  	[smem:$0x3FAB] =	sst s7  }
0x10: {  	[smem:$0x3FAC] =	sst s8  }
0x11: {  	[smem:$0x3FAD] =	sst s9;
	s0 =	simm.s32 @!p0 $0x0  }
0x12: {  	s1 =	sld [smem:$0x3F93];
	s0 =	simm.s32 @p0 $0x1  }
0x13: {  	[smem:$0x3FAE] =	sst s0;
	s0 =	simm.s32 @!p1 $0x0  }
0x14: {  	s2 =	sld [smem:$0x3F92];
	s0 =	simm.s32 @p1 $0x1  }
0x15: {  	[smem:$0x3FAF] =	sst s0;
	s0 =	simm.s32 @!p2 $0x0  }
0x16: {  	s3 =	sld [smem:$0x3FDB];
	s0 =	simm.s32 @p2 $0x1  }
0x17: {  	s4 =	simm.s32 $0x1BF5;
	[smem:$0x3FB1] =	sst s0  }
0x18: {  	s0 =	sld [smem:$0x3F94];
	_ =	swait.ge [sflag:s4], $0x0  }
0x19: {  	s7 =	sld [smem:$0x3F95]  }
0x1a: {  	s8 =	sadd.s32 $0xFFFFE003, lr  }
0x1b: {  	s9 =	sadd.s32 $0xFFFFFEF7, lr;
	s5 =	simm.s32 $0xFFFFFFFF;
	p2 =	slt.u32 s8, $0xFFFFF086  }
0x1c: {  	p1 =	slt.u32 s9, $0xF7A;
	s5 =	simm.s32 @!p2 $0x0  }
0x1d: {  	s5 =	simm.s32 @p1 $0x1;
	p0 =	seq.s32 s7, s2  }
0x1e: {  	s7 =	smul.u32 @!p0 $0xF7A, s2;
	p2 =	seq.s32 @!p0 s5, $0x0  }
0x1f: {  	s9 =	smul.u32 $0xF7A, s1;
	s8 =	simm.s32 @!p0 $0x1BF5;
	p2 =	por !p2, p0  }
0x20: {  	[sflag:s8] =	ssyncset.s32 @!p0 $0xFFFFF086;
	s6 =	sadd.s32 @!p0 s3, s7;
	s7 =	simm.s32 @!p0 $0x108  }
0x21: {  	s3 =	sadd.s32 s3, s9;
	s6 =	sadd.s32 @!p0 $0x88, s6;
	s7 =	simm.s32 @p2 $0x1082  }
0x22: {  	[simem:s7], [sflag:s8] =	dma.local @!p0 [hbm:s6], $0xF7A  }
0x23: {  	s9 =	sor.u32 $0xD0000000, s2;
	s6 =	simm.s32 $0x108;
	_ =	swait.ge @!p0 [sflag:s8], $0x0  }
0x24: {  	s3 =	sadd.s32 $0x88, s3;
	s6 =	simm.s32 @!p1 $0x1082;
	[sflag:s4] =	ssyncset.s32 $0xFFFFF086  }
0x25: {  	[simem:s6], [sflag:s4] =	dma.local [hbm:s3], $0xF7A  }
0x26: {  	[smem:$0x3F95] =	sst s1;
	(tag) =	ssettag s2;
	_ =	strace s9  }
0x27: {  	s1 =	sld [smem:$0x3FA5]  }
0x28: {  	s2 =	sld [smem:$0x3FA6]  }
0x29: {  	s4 =	sld [smem:$0x3FA8]  }
0x2a: {  	p0 =	seq.s32 s5, $0x0;
	s5 =	sld [smem:$0x3FA9]  }
0x2b: {  	s6 =	sld [smem:$0x3FAA]  }
0x2c: {  	s7 =	sld [smem:$0x3FAB]  }
0x2d: {  	s3 =	simm.s32 $0x108;
	s8 =	sld [smem:$0x3FAC]  }
0x2e: {  	s3 =	simm.s32 @!p0 $0x1082;
	s9 =	sld [smem:$0x3FAD]  }
0x2f: {  	lr =	sadd.s32 s0, s3;
	s0 =	sld [smem:$0x3FA4]  }
0x30: {  	s3 =	sld [smem:$0x3FA7]  }
0x31: {  	[smem:$0x3FB0] =	sst s10  }
0x32: {  	s10 =	sld [smem:$0x3FAE];
	_ =	sdelay $0x3  }
0x33: {  	p0 =	seq.s32 s10, $0x1;
	s10 =	sld [smem:$0x3FB0];
	_ =	sdelay $0x3  }
0x34: {  	[smem:$0x3FB0] =	sst s10  }
0x35: {  	s10 =	sld [smem:$0x3FAF];
	_ =	sdelay $0x3  }
0x36: {  	p1 =	seq.s32 s10, $0x1;
	s10 =	sld [smem:$0x3FB0];
	_ =	sdelay $0x3  }
0x37: {  	[smem:$0x3FB0] =	sst s10  }
0x38: {  	s10 =	sld [smem:$0x3FB1]  }
0x39: {  	_ = 	snop;
	(pc) =	sbr.ind lr, $3  }
0x3a: {  	_ = 	snop  }
0x3b: {  	_ = 	snop  }
0x3c: {  	p2 =	seq.s32 s10, $0x1;
	s10 =	sld [smem:$0x3FB0]  }
0x3d: {  	_ =	shalt  }
0x3e: {  	_ =	shalt  }
0x3f: {  	_ =	shalt  }
0x40: {  	_ =	shalt  }
0x41: {  	_ =	shalt  }
0x42: {  	_ =	shalt  }
0x43: {  	_ =	shalt  }
0x44: {  	_ =	shalt  }
0x45: {  	_ =	shalt  }
0x46: {  	_ =	shalt  }
0x47: {  	_ =	shalt  }
0x48: {  	_ =	shalt  }
0x49: {  	_ =	shalt  }
0x4a: {  	_ =	shalt  }
0x4b: {  	_ =	shalt  }
0x4c: {  	_ =	shalt  }
0x4d: {  	_ =	shalt  }
0x4e: {  	_ =	shalt  }
0x4f: {  	_ =	shalt  }
0x50: {  	_ =	shalt  }
0x51: {  	_ =	shalt  }
0x52: {  	_ =	shalt  }
0x53: {  	_ =	shalt  }
0x54: {  	_ =	shalt  }
0x55: {  	_ =	shalt  }
0x56: {  	_ =	shalt  }
0x57: {  	_ =	shalt  }
0x58: {  	_ =	shalt  }
0x59: {  	_ =	shalt  }
0x5a: {  	_ =	shalt  }
0x5b: {  	_ =	shalt  }
0x5c: {  	_ =	shalt  }
0x5d: {  	_ =	shalt  }
0x5e: {  	_ =	shalt  }
0x5f: {  	_ =	shalt  }
0x60: {  	_ =	shalt  }
0x61: {  	_ =	shalt  }
0x62: {  	_ =	shalt  }
0x63: {  	_ =	shalt  }
0x64: {  	_ =	shalt  }
0x65: {  	_ =	shalt  }
0x66: {  	_ =	shalt  }
0x67: {  	_ =	shalt  }
0x68: {  	_ =	shalt  }
0x69: {  	_ =	shalt  }
0x6a: {  	_ =	shalt  }
0x6b: {  	_ =	shalt  }
0x6c: {  	_ =	shalt  }
0x6d: {  	_ =	shalt  }
0x6e: {  	_ =	shalt  }
0x6f: {  	_ =	shalt  }
0x70: {  	_ =	shalt  }
0x71: {  	_ =	shalt  }
0x72: {  	_ =	shalt  }
0x73: {  	_ =	shalt  }
0x74: {  	_ =	shalt  }
0x75: {  	_ =	shalt  }
0x76: {  	_ =	shalt  }
0x77: {  	_ =	shalt  }
0x78: {  	_ =	shalt  }
0x79: {  	_ =	shalt  }
0x7a: {  	_ =	shalt  }
0x7b: {  	_ =	shalt  }
0x7c: {  	_ =	shalt  }
0x7d: {  	_ =	shalt  }
0x7e: {  	_ =	shalt  }
0x7f: {  	_ =	shalt  }
0x80: {  	_ =	shalt  }
0x81: {  	_ =	shalt  }
0x82: {  	_ =	shalt  }
0x83: {  	_ =	shalt  }
0x84: {  	_ =	shalt  }
0x85: {  	_ =	shalt  }
0x86: {  	_ =	shalt  }
0x87: {  	_ =	shalt  }
.Lfunc_end0:
.L_simem_size_0:
called_computation.1_lowered:
.L_overlay_start_0:
0x88: {  	s2 =	sld [smem:$0x3FD9]  }
0x89: {  	s3 =	sld [smem:$0x3FFE];
	_ =	sdelay $0x1  }
0x8a: {  	s1 =	srdreg.scid  }
0x8b: {  	s0 =	sand.u32 $0x1, s1  }
0x8c: {  	s15 =	sshll.u32 s0, $0xA;
	s2 =	sadd.s32 s3, s2  }
0x8d: {  	s2 =	sadd.s32 s2, s15  }
0x8e: {  	[smem:$0x3FBC] =	sst s2  }
0x8f: {  	_ = 	snop  }
0x90: {  	s2 =	sld [smem:$0x3FD0];
	_ =	sdelay $0x2  }
0x91: {  	s16 =	simm.s32 $0xB;
	s4 =	simm.s32 $0x10  }
0x92: {  	[smem:s4], [sflag:s16] =	dma.local [hbm:s2], $0x1  }
0x93: {  	_ =	swait.eq [sflag:s16], $0x1  }
0x94: {  	[sflag:s16] =	ssyncset.done $0x0  }
0x95: {  	[sflag:s16] =	ssyncadd.s32 $0xFFFFFFFF  }
0x96: {  	s17 =	sld [smem:$0x13];
	(tm) =	ssettm $0x1  }
0x97: {  	s18 =	sld [smem:$0x3FFB];
	_ =	sdelay $0x3  }
0x98: {  	_ =	strace s18  }
0x99: {  	s2 =	sld [smem:$0x3FFC];
	_ =	sdelay $0x3  }
0x9a: {  	_ =	strace s2  }
0x9b: {  	s2 =	sld [smem:$0x3FFD];
	_ =	sdelay $0x3  }
0x9c: {  	_ =	strace s2  }
0x9d: {  	_ =	strace $0x8FFFFFFF  }
0x9e: {  	s19 =	sld [smem:$0x3FDB];
	_ =	sdelay $0x1  }
0x9f: {  	s20 =	simm.s32 $_scs_section_size  }
0xa0: {  	s5 =	simm.s32 $_size__tile_overlayer_lowered;
	s6 =	simm.s32 $_tile_overlayer_lowered  }
0xa1: {  	s7 =	simm.s32 $0x1BFF;
	s21 =	sshll.u32 s6, $0x1;
	s4 =	sadd.s32 s20, s19  }
0xa2: {  	s22 =	simm.s32 $0x0;
	s5 =	sshll.u32 s5, $0x1;
	s6 =	sadd.s32 s21, s4  }
0xa3: {  	[timem:s22], [sflag:s7] =	dma.local [hbm:s6], s5  }
0xa4: {  	_ =	swait.ge [sflag:s7], s5  }
0xa5: {  	s5 =	ssub.s32 $0x0, s5;
	[sflag:s7] =	ssyncset.done $0x0  }
0xa6: {  	[sflag:s7] =	ssyncadd.s32 s5;
	_ =	sdelay $0x1  }
0xa7: {  	s23 =	simm.s32 $0x1B8B  }
0xa8: {  	_ =	swait.ge [sflag:s23], $0x1  }
0xa9: {  	[sflag:s23] =	ssyncset.done $0x0  }
0xaa: {  	[sflag:s23] =	ssyncadd.s32 $0xFFFFFFFF  }
0xab: {  	s5 =	sld [smem:$0x0]  }
0xac: {  	s6 =	sand.u32 $0xFFFFFFFE, s1  }
0xad: {  	p0 =	sne.s32 s1, s6  }
0xae: {  	s6 =	sshll.u32 @p0 s6, $0xE  }
0xaf: {  	s6 =	sadd.s32 @p0 $0x11B8D, s6;
	s7 =	sshll.u32 @p0 s5, $0x11  }
0xb0: {  	s6 =	sor.u32 @p0 s7, s6  }
0xb1: {  	[sflag:s6] =	ssyncadd.remote.s32 @p0 $0x1;
	_ =	sdelay $0x1  }
0xb2: {  	s6 =	simm.s32 @p0 $0x1B8D  }
0xb3: {  	_ =	swait.eq @p0 [sflag:s6], $0x1  }
0xb4: {  	[sflag:s6] =	ssyncadd.s32 @p0 $0xFFFFFFFF  }
0xb5: {  	s7 =	sshll.u32 @!p0 s1, $0xE  }
0xb6: {  	s7 =	sor.u32 @!p0 $0x4000, s7;
	s6 =	simm.s32 @!p0 $0x1B8D  }
0xb7: {  	s5 =	sshll.u32 @!p0 s5, $0x11;
	s7 =	sadd.s32 @!p0 $0x11B8D, s7;
	_ =	swait.eq @!p0 [sflag:s6], $0x1  }
0xb8: {  	s5 =	sor.u32 @!p0 s5, s7;
	[sflag:s6] =	ssyncadd.s32 @!p0 $0xFFFFFFFF  }
0xb9: {  	s25 =	simm.s32 $0x1B8E;
	s24 =	sld [smem:$0x3FFE];
	[sflag:s5] =	ssyncadd.remote.s32 @!p0 $0x1  }
0xba: {  	s26 =	simm.s32 $execute0_lowered;
	[smem:$0x3FD2] =	sst s25  }
0xbb: {  	s6 =	sshll.u32 s26, $0x1;
	_ =	strace $0x80000049;
	[dreg:$0x1] =	wrdreg $0xFFFFFFFF  }
0xbc: {  	s28 =	simm.s32 $_size_execute0_lowered;
	s4 =	sadd.s32 s4, s6;
	[dreg:$0x0] =	wrdreg $0x0  }
0xbd: {  	s6 =	sshll.u32 s28, $0x1;
	[dreg:$0x2] =	wrdreg s4  }
0xbe: {  	[dreg:$0x3] =	wrdreg s6  }
0xbf: {  	[dreg:$0x4] =	wrdreg $0xC0  }
0xc0: {  	_ =	task [dreg:s22], $0x5FFFF  }
0xc1: {  	[dreg:$0x1] =	wrdreg $0xFFFFFFFF  }
0xc2: {  	[dreg:$0x0] =	wrdreg $0x60  }
0xc3: {  	[dreg:$0x2] =	wrdreg s24  }
0xc4: {  	[dreg:$0x3] =	wrdreg s17  }
0xc5: {  	[dreg:$0x4] =	wrdreg $0xA  }
0xc6: {  	_ =	task.clear_ibuf [dreg:s22], $0x5FFFF;
	_ =	strace $0x90000049  }
0xc7: {  	s29 =	simm.s32 $0xA;
	_ =	strace $0x8000004B  }
0xc8: {  	_ =	swait.ge [sflag:s29], $0x1  }
0xc9: {  	[sflag:s29] =	ssyncadd.s32 $0xFFFFFFFF  }
0xca: {  	_ =	strace $0x9000004B  }
0xcb: {  	_ =	sfence  }
0xcc: {  	s30 =	sld [smem:$0x0];
	_ =	sdelay $0x2  }
0xcd: {  	s31 =	sshll.u32 s1, $0xD;
	s1 =	sshrl.u32 s1, $0x2  }
0xce: {  	s4 =	sand.u32 $0x4000, s31;
	s1 =	sadd.s32 s1, s30  }
0xcf: {  	s0 =	sor.u32 s4, s0;
	s1 =	sshll.u32 s1, $0x11  }
0xd0: {  	s0 =	sor.u32 s1, s0  }
0xd1: {  	s0 =	sadd.s32 $0x8F2B, s0  }
0xd2: {  	[sflag:s0] =	ssyncadd.remote.s32 $0x1  }
0xd3: {  	_ =	sfence.sel $0xFFFF  }
0xd4: {  	[dreg:$0x0] =	wrdreg $0xFFFFFFFF;
	(pc) =	sbr.abs _section_cstart, $3  }
0xd5: {  	[dreg:$0x1] =	wrdreg $0xFFFFFFFF  }
0xd6: {  	_ =	task.clear_ibuf [dreg:s22], $0x2FFFF;
	_ =	strace $0x9FFFFFFF  }
0xd7: {  	(tm) =	ssettm $0x7FFFFFFF  }
tec
execute0_lowered:
.L_overlay_start_1:
0x0: {  	(tag) =	ssettag $0x1  }
0x1: {  	s1 =	srdreg.scid  }
0x2: {  	s8 =	rddreg [dreg:$0x0];
	s0 =	stileid.u32;
	s10 =	sand.u32 $0x1, s1  }
0x3: {  	s9 =	rddreg [dreg:$0x1];
	s3 =	sshll.u32 s0, $0x9;
	s4 =	sshll.u32 s10, $0x8  }
0x4: {  	s2 =	simm.s32 $0x0;
	s1 =	rddreg [dreg:$0x2];
	s11 =	sor.u32 s4, s3  }
0x5: {  	[smem:$0x7FF] =	sst s2;
	s3 =	sshrl.u32 s11, $0x3  }
0x6: {  	_ =	strace $0x8000004A;
	s4 =	sadd.s32 s9, s3;
	s3 =	simm.s32 $0x2  }
0x7: {  	[tilespmem:s2], [sflag:$0x2] =	stream.linear.gather [hbm4b:s4+s2], $0x80, $0x38;
	[tilespmem:$0x4080] =	vst v63  }
0x8: {  	_ =	swait.ge [sflag:s3], $0x80  }
0x9: {  	s6 =	simm.s32 $0x80;
	[sflag:s3] =	ssyncset.done $0x0  }
0xa: {  	s7 =	simm.s32 $0x1;
	s5 =	sadd.s32 $0x10600, s8;
	[sflag:s3] =	ssyncadd.s32 $0xFFFFFF80  }
0xb: {  	[tilespmem:s6], [sflag:$0x1] =	stream.indirect.gather [hbm4b:s5+s6], $0x80, s2, s6, $0xb8;
	[tilespmem:$0x4080] =	vst v63  }
0xc: {  	_ =	swait.ge [sflag:s7], $0x4000  }
0xd: {  	s12 =	sadd.s32 $0x170600, s8;
	s28 =	sshll.u32 s11, $0x4;
	[sflag:s7] =	ssyncset.done $0x0  }
0xe: {  	s8 =	sadd.s32 s12, s28;
	[sflag:s7] =	ssyncadd.s32 $0xFFFFC000  }
0xf: {  	[hbm4b:s8+s2] =	stream.linear.scatter [tilespmem:s6], [sflag:$0x2], $0x4000, $0x38;
	[tilespmem:$0x4080] =	vst v63  }
0x10: {  	s11 =	sor.u32 $0x80, s11;
	_ =	swait.ge [sflag:s3], $0x4000  }
0x11: {  	s13 =	sshrl.u32 s11, $0x3;
	[sflag:s3] =	ssyncset.done $0x0  }
0x12: {  	s10 =	ssub.s32 $0x2, s10;
	s9 =	sadd.s32 s9, s13;
	[sflag:s3] =	ssyncadd.s32 $0xFFFFC000  }
0x13: {  	[tilespmem:s2], [sflag:$0x2] =	stream.linear.gather [hbm4b:s9+s2], $0x80, $0x38;
	[tilespmem:$0x4080] =	vst v63  }
0x14: {  	s29 =	sshrl.u32 s10, $0x1;
	_ =	swait.ge [sflag:s3], $0x80  }
0x15: {  	s13 =	ssub.s32 s10, s29;
	[sflag:s3] =	ssyncset.done $0x0  }
0x16: {  	s31 =	smax.u32 s13, $0x1;
	[sflag:s3] =	ssyncadd.s32 $0xFFFFFF80  }
0x17: {  	[tilespmem:s6], [sflag:$0x1] =	stream.indirect.gather [hbm4b:s5+s6], $0x80, s2, s6, $0xb8;
	[tilespmem:$0x4080] =	vst v63  }
0x18: {  	p0 =	sne.s32 s31, $0x1;
	_ =	swait.ge [sflag:s7], $0x4000  }
.Ltmp0:
0x19: {  	s30 =	sshll.u32 s11, $0x4;
	[sflag:s7] =	ssyncset.done $0x0;
	(pc) =	sbr.rel @!p0 .LBB2_2-.Ltmp0, $4  }
0x1a: {  	s10 =	sadd.s32 s12, s30;
	[sflag:s7] =	ssyncadd.s32 $0xFFFFC000  }
0x1b: {  	[hbm4b:s10+s2] =	stream.linear.scatter [tilespmem:s6], [sflag:$0x2], $0x4000, $0x38;
	[tilespmem:$0x4080] =	vst v63  }
0x1c: {  	_ =	swait.ge [sflag:s3], $0x4000  }
0x1d: {  	s11 =	sadd.s32 $0xFFFFFFFF, s31;
	[sflag:s3] =	ssyncset.done $0x0  }
.LBB2_1:
0x1e: {  	p0 =	sne.s32 s11, $0x1;
	s11 =	sadd.s32 $0xFFFFFFFF, s11;
	[sflag:s3] =	ssyncadd.s32 $0xFFFFC000  }
0x1f: {  	[tilespmem:s2], [sflag:$0x2] =	stream.linear.gather [hbm4b:s4+s2], $0x80, $0x38;
	[tilespmem:$0x4080] =	vst v63  }
0x20: {  	_ =	swait.ge [sflag:s3], $0x80  }
0x21: {  	[sflag:s3] =	ssyncset.done $0x0  }
0x22: {  	[sflag:s3] =	ssyncadd.s32 $0xFFFFFF80  }
0x23: {  	[tilespmem:s6], [sflag:$0x1] =	stream.indirect.gather [hbm4b:s5+s6], $0x80, s2, s6, $0xb8;
	[tilespmem:$0x4080] =	vst v63  }
0x24: {  	_ =	swait.ge [sflag:s7], $0x4000  }
0x25: {  	[sflag:s7] =	ssyncset.done $0x0  }
0x26: {  	[sflag:s7] =	ssyncadd.s32 $0xFFFFC000  }
0x27: {  	[hbm4b:s8+s2] =	stream.linear.scatter [tilespmem:s6], [sflag:$0x2], $0x4000, $0x38;
	[tilespmem:$0x4080] =	vst v63  }
0x28: {  	_ =	swait.ge [sflag:s3], $0x4000  }
0x29: {  	[sflag:s3] =	ssyncset.done $0x0  }
0x2a: {  	[sflag:s3] =	ssyncadd.s32 $0xFFFFC000  }
0x2b: {  	[tilespmem:s2], [sflag:$0x2] =	stream.linear.gather [hbm4b:s9+s2], $0x80, $0x38;
	[tilespmem:$0x4080] =	vst v63  }
0x2c: {  	_ =	swait.ge [sflag:s3], $0x80  }
0x2d: {  	[sflag:s3] =	ssyncset.done $0x0  }
0x2e: {  	[sflag:s3] =	ssyncadd.s32 $0xFFFFFF80  }
0x2f: {  	[tilespmem:s6], [sflag:$0x1] =	stream.indirect.gather [hbm4b:s5+s6], $0x80, s2, s6, $0xb8;
	[tilespmem:$0x4080] =	vst v63  }
0x30: {  	_ =	swait.ge [sflag:s7], $0x4000  }
.Ltmp1:
0x31: {  	[sflag:s7] =	ssyncset.done $0x0;
	(pc) =	sbr.rel @p0 .LBB2_1-.Ltmp1, $4  }
0x32: {  	[sflag:s7] =	ssyncadd.s32 $0xFFFFC000  }
0x33: {  	[hbm4b:s10+s2] =	stream.linear.scatter [tilespmem:s6], [sflag:$0x2], $0x4000, $0x38;
	[tilespmem:$0x4080] =	vst v63  }
0x34: {  	_ =	swait.ge [sflag:s3], $0x4000  }
0x35: {  	[sflag:s3] =	ssyncset.done $0x0  }
.LBB2_2:
0x36: {  	[sflag:s3] =	ssyncadd.s32 $0xFFFFC000  }
0x37: {  	_ =	sfence.sel $0x180000  }
0x38: {  	[bflag:$0x0] =	sbarrier.arrive $0xFFFF  }
0x39: {  	p0 =	sne.s32 s0, $0x0;
	_ =	strace $0x9000004A  }
0x3a: {  	s0 =	sadd.s32 @!p0 $0x100000, s1;
	[bflag:$0x2] =	sbarrier.arrive $0xFFFF  }
0x3b: {  	[sflag:s0] =	ssyncadd.tile.s32 @!p0 $0x1;
	_ =	shalt  }
.Lfunc_end2:
_tile_overlayer_lowered:
.L_overlay_start_2:
0x3c: {  	(tag) =	ssettag $0x2  }
0x3d: {  	s0 =	rddreg [dreg:$0x0];
	s2 =	stileid.u32  }
0x3e: {  	s1 =	rddreg [dreg:$0x1];
	p0 =	sne.s32 s2, $0x0  }
0x3f: {  	s3 =	rddreg [dreg:$0x2];
	[bflag:$0x3] =	sbarrier.arrive $0xFFFF;
	s2 =	simm.s32 @!p0 $0x1C02  }
0x40: {  	[timem:s3], [sflag:s2] =	dma.local @!p0 [hbm:s0], s1  }
0x41: {  	s0 =	simm.s32 @!p0 $0x2  }
0x42: {  	_ =	swait.ge @!p0 [sflag:s0], s1  }
0x43: {  	s1 =	ssub.s32 @!p0 $0x0, s1;
	[sflag:s0] =	ssyncset.done @!p0 $0x0  }
0x44: {  	[sflag:s0] =	ssyncadd.s32 @!p0 s1  }
0x45: {  	[bflag:$0x3] =	sbarrier.arrive $0xFFFF  }
0x46: {  	_ =	shalt  }

// kernel: sparse-core-data-format-call.cloned.1.call-start
scs
called_computation_lowered:
.L_overlay_start_0:
0x0: {  	s1 =	sld [smem:$0x3FD9]  }
0x1: {  	s2 =	sld [smem:$0x3FFE];
	_ =	sdelay $0x1  }
0x2: {  	s3 =	srdreg.scid  }
0x3: {  	s0 =	sand.u32 $0x1, s3  }
0x4: {  	s17 =	sshll.u32 s0, $0xA;
	s1 =	sadd.s32 s2, s1  }
0x5: {  	s1 =	sadd.s32 s1, s17  }
0x6: {  	[smem:$0x3FBC] =	sst s1  }
0x7: {  	_ = 	snop  }
0x8: {  	(tm) =	ssettm $0x1  }
0x9: {  	s18 =	sld [smem:$0x3FFB];
	_ =	sdelay $0x3  }
0xa: {  	_ =	strace s18  }
0xb: {  	s1 =	sld [smem:$0x3FFC];
	_ =	sdelay $0x3  }
0xc: {  	_ =	strace s1  }
0xd: {  	s1 =	sld [smem:$0x3FFD];
	_ =	sdelay $0x3  }
0xe: {  	_ =	strace s1  }
0xf: {  	_ =	strace $0x8FFFFFFF  }
0x10: {  	s19 =	sld [smem:$0x3FDB];
	_ =	sdelay $0x1  }
0x11: {  	s20 =	simm.s32 $_scs_section_size  }
0x12: {  	s4 =	simm.s32 $_size__tile_overlayer_lowered;
	s5 =	simm.s32 $_tile_overlayer_lowered  }
0x13: {  	s23 =	simm.s32 $0x1BFF;
	s22 =	sshll.u32 s5, $0x1;
	s1 =	sadd.s32 s20, s19  }
0x14: {  	s6 =	simm.s32 $0x0;
	s21 =	sshll.u32 s4, $0x1;
	s4 =	sadd.s32 s22, s1  }
0x15: {  	[timem:s6], [sflag:s23] =	dma.local [hbm:s4], s21  }
0x16: {  	_ =	swait.ge [sflag:s23], s21  }
0x17: {  	s2 =	ssub.s32 $0x0, s21;
	[sflag:s23] =	ssyncset.done $0x0  }
0x18: {  	[sflag:s23] =	ssyncadd.s32 s2;
	_ =	sdelay $0x1  }
0x19: {  	s24 =	simm.s32 $0x1B8B  }
0x1a: {  	_ =	swait.ge [sflag:s24], $0x1  }
0x1b: {  	[sflag:s24] =	ssyncset.done $0x0  }
0x1c: {  	s26 =	simm.s32 $0x1B8E;
	s25 =	sld [smem:$0x3FFE];
	[sflag:s24] =	ssyncadd.s32 $0xFFFFFFFF  }
0x1d: {  	s27 =	simm.s32 $execute0_lowered;
	[smem:$0x3FD2] =	sst s26  }
0x1e: {  	s4 =	sshll.u32 s27, $0x1;
	_ =	strace $0x80000046;
	[dreg:$0x1] =	wrdreg $0xFFFFFFFF  }
0x1f: {  	s28 =	simm.s32 $_size_execute0_lowered;
	s1 =	sadd.s32 s1, s4;
	[dreg:$0x0] =	wrdreg $0x0  }
0x20: {  	s4 =	sshll.u32 s28, $0x1;
	[dreg:$0x2] =	wrdreg s1  }
0x21: {  	[dreg:$0x3] =	wrdreg s4  }
0x22: {  	[dreg:$0x4] =	wrdreg $0xC0  }
0x23: {  	_ =	task [dreg:s6], $0x5FFFF  }
0x24: {  	[dreg:$0x1] =	wrdreg $0xFFFFFFFF  }
0x25: {  	[dreg:$0x0] =	wrdreg $0x60  }
0x26: {  	[dreg:$0x2] =	wrdreg s25  }
0x27: {  	[dreg:$0x3] =	wrdreg $0x9  }
0x28: {  	_ =	task.clear_ibuf [dreg:s6], $0x4FFFF;
	_ =	strace $0x90000046  }
0x29: {  	s29 =	simm.s32 $0x9;
	_ =	strace $0x80000048  }
0x2a: {  	_ =	swait.ge [sflag:s29], $0x1  }
0x2b: {  	[sflag:s29] =	ssyncadd.s32 $0xFFFFFFFF  }
0x2c: {  	_ =	strace $0x90000048  }
0x2d: {  	_ =	sfence  }
0x2e: {  	s30 =	sld [smem:$0x0];
	_ =	sdelay $0x2  }
0x2f: {  	s31 =	sshll.u32 s3, $0xD;
	s3 =	sshrl.u32 s3, $0x2  }
0x30: {  	s2 =	sand.u32 $0x4000, s31;
	s1 =	sadd.s32 s3, s30  }
0x31: {  	s0 =	sor.u32 s2, s0;
	s1 =	sshll.u32 s1, $0x11  }
0x32: {  	s0 =	sor.u32 s1, s0  }
0x33: {  	s0 =	sadd.s32 $0x8F2B, s0  }
0x34: {  	[sflag:s0] =	ssyncadd.remote.s32 $0x1  }
0x35: {  	_ =	sfence.sel $0xFFFF  }
0x36: {  	[dreg:$0x0] =	wrdreg $0xFFFFFFFF;
	(pc) =	sbr.abs _section_cstart, $3  }
0x37: {  	[dreg:$0x1] =	wrdreg $0xFFFFFFFF  }
0x38: {  	_ =	task.clear_ibuf [dreg:s6], $0x2FFFF;
	_ =	strace $0x9FFFFFFF  }
0x39: {  	(tm) =	ssettm $0x7FFFFFFF  }
tec
execute0_lowered:
.L_overlay_start_1:
0x0: {  	(tag) =	ssettag $0x1  }
0x1: {  	s0 =	stileid.u32;
	s1 =	srdreg.scid  }
0x2: {  	s2 =	sshll.u32 s0, $0x6;
	s1 =	sshll.u32 s1, $0xA  }
0x3: {  	s1 =	sor.u32 s2, s1  }
0x4: {  	s7 =	rddreg [dreg:$0x0];
	s1 =	sand.u32 $0x780, s1  }
0x5: {  	s8 =	simm.s32 $0x2;
	s2 =	sand.u32 $0x1, s0;
	s3 =	ssub.s32 $0x1000, s1  }
0x6: {  	s14 =	simm.s32 $0x0;
	s4 =	ssub.s32 $0x2, s2;
	s5 =	sand.u32 $0x780, s3  }
0x7: {  	s6 =	sshrl.u32 s4, $0x1;
	p0 =	sne.s32 s5, $0x0;
	s5 =	simm.s32 $0x1  }
0x8: {  	s4 =	sand.u32 $0x1, s4;
	s3 =	sshrl.u32 s3, $0xB;
	s5 =	simm.s32 @!p0 $0x0  }
0x9: {  	s9 =	simm.s32 $0x8000;
	s4 =	sadd.s32 s4, s6;
	s5 =	sadd.s32 s5, s3  }
0xa: {  	s15 =	simm.s32 $0x0;
	s16 =	simm.s32 $0x0;
	s6 =	smul.u32 s5, s4  }
.Ltmp0:
0xb: {  	s10 =	simm.s32 $0x0;
	s13 =	simm.s32 $0x0;
	(pc) =	sbr.rel .LBB1_1-.Ltmp0, $4  }
0xc: {  	s12 =	smov.u32 s2;
	s11 =	smov.u32 s1;
	s3 =	rddreg [dreg:$0x1]  }
0xd: {  	_ =	strace $0x80000047;
	s5 =	simm.s32 $0x1;
	s6 =	smul.u32 $0x14, s6  }
0xe: {  	p0 =	por $0x0, $0x0;
	s4 =	sadd.s32 $0x2B0600, s7;
	[sflag:s5] =	ssyncpa.u1 $0x0  }
0xf: {  	s7 =	sadd.s32 $0x30600, s7;
	[sflag:s8] =	ssyncpa.u1 $0x0;
	s8 =	sor.u32 $0x1, s6  }
.LBB1_4:
0x10: {  	s16 =	smul.u32 $0xA0000, s16  }
0x11: {  	s19 =	sshll.u32 s15, $0x3;
	s20 =	sand.u32 $0x78, s15;
	s30 =	sand.u32 $0x7E00, s15  }
0x12: {  	s14 =	sshll.u32 s14, $0xF;
	s19 =	sand.u32 $0xC00, s19;
	s16 =	sadd.s32 s7, s16  }
0x13: {  	[tilespmem:s18+$0x810 ss:$0x81] =	vst.msk $0xffff, v2;
	s31 =	sand.u32 $0x7, s15;
	s19 =	sor.u32 s20, s19;
	s16 =	sadd.s32 s30, s16  }
0x14: {  	[tilespmem:s18+$0x1020 ss:$0x81] =	vst.msk $0xffff, v0;
	s15 =	sshll.u32 s31, $0x12;
	s19 =	sshrl.u32 s19, $0x3;
	s14 =	sadd.s32 s14, s16  }
0x15: {  	[tilespmem:s18+$0x0 ss:$0x81] =	vst.msk $0xffff, v1;
	s15 =	sor.u32 $0x400, s15;
	s14 =	sadd.s32 s19, s14  }
0x16: {  	[hbm4b:s14+s15] =	stream.strided.scatter [tilespmem:s17], [sflag:$0x2], $0x2000, s9, s15, $0x20;
	[tilespmem:$0x8080] =	vst v63  }
.LBB1_5:
0x17: {  	s17 =	sadd.s32 $0x1, s10  }
0x18: {  	s14 =	sadd.s32 $0x800, s11;
	s18 =	smov.u32 s11;
	p2 =	sgt.s32 s17, $0x13  }
0x19: {  	s18 =	smov.u32 @p2 s14  }
0x1a: {  	s20 =	smov.u32 s12;
	s14 =	sadd.s32 $0x2, s12;
	p3 =	sgt.s32 s18, $0xFFF  }
0x1b: {  	s20 =	smov.u32 @p3 s14  }
0x1c: {  	s17 =	simm.s32 @p2 $0x0;
	p2 =	sgt.s32 s20, $0x1  }
0x1d: {  	p1 =	slt.u32 s13, $0x2;
	s20 =	smov.u32 @p2 s2;
	p2 =	sne.s32 s13, s8  }
.Ltmp1:
0x1e: {  	s19 =	simm.s32 @!p1 $0x2;
	(pc) =	sbr.rel @!p2 .LBB1_6-.Ltmp1, $4  }
0x1f: {  	s15 =	smov.u32 s11;
	s16 =	smov.u32 s12;
	_ =	swait.ge @!p1 [sflag:s19], $0x2000  }
0x20: {  	p0 =	por !p0, !p0;
	[sflag:s19] =	ssyncset.done @!p1 $0x0;
	s18 =	smov.u32 @p3 s1  }
0x21: {  	s14 =	smov.u32 s10;
	[sflag:s19] =	ssyncadd.s32 @!p1 $0xFFFFE000;
	s10 =	smov.u32 s17  }
0x22: {  	s11 =	smov.u32 s18;
	s13 =	sadd.s32 $0x1, s13;
	s12 =	smov.u32 s20  }
.LBB1_1:
0x23: {  	p1 =	sge.u32 s13, s6  }
0x24: {  	s17 =	sand.u32 @!p1 $0x1FFFFFF, s10;
	s19 =	smul.u32 @!p1 $0x180000, s12  }
0x25: {  	s18 =	smulhi.u32 @!p1 $0xAAAAAAB, s17  }
0x26: {  	s21 =	smul.u32 @!p1 $0x180, s11  }
0x27: {  	s18 =	smul.u32 @!p1 $0x18, s18  }
0x28: {  	s31 =	sadd.s32 $0xFFFFFFFF, s13;
	s19 =	sadd.s32 @!p1 s4, s19  }
0x29: {  	s20 =	sxor.u32 @!p1 $0xFFFFFFFF, s13;
	s19 =	sadd.s32 @!p1 s21, s19;
	s17 =	ssub.s32 @!p1 s17, s18  }
0x2a: {  	s18 =	sshll.u32 @!p1 s20, $0xD;
	s20 =	simm.s32 @!p1 $0xC00;
	s17 =	sshll.u32 @!p1 s17, $0x4  }
0x2b: {  	s18 =	sand.u32 @!p1 $0x2000, s18;
	s17 =	sadd.s32 @!p1 s17, s19;
	s19 =	simm.s32 @!p1 $0x40  }
0x2c: {  	[tilespmem:s18], [sflag:$0x1] =	stream.strided.gather @!p1 [hbm4b:s17+s19], $0x2000, s20, s19, $0x38;
	[tilespmem:$0x8080] =	vst v63  }
0x2d: {  	p1 =	sge.u32 s31, s6  }
.Ltmp2:
0x2e: {  	_ = 	snop;
	(pc) =	sbr.rel @p1 .LBB1_5-.Ltmp2, $1  }
0x2f: {  	_ =	sdelay $0x3  }
0x30: {  	s17 =	simm.s32 $0x1  }
0x31: {  	_ =	swait.ge [sflag:s5], $0x2000;
	s17 =	simm.s32 @!p0 $0x0  }
0x32: {  	[sflag:s5] =	ssyncset.done $0x0;
	s18 =	sshll.u32 s17, $0xD  }
0x33: {  	[sflag:s5] =	ssyncadd.s32 $0xFFFFE000;
	s21 =	sor.u32 $0x20, s18  }
0x34: {  	s17 =	smul.u32 $0x8100, s17;
	v3 =	vld [tilespmem:s21+$0x10]  }
0x35: {  	s30 =	sand.u32 $0x1, s13;
	v2 =	vld [tilespmem:s21+$0xFFFFFFF0]  }
0x36: {  	s18 =	smul.u32 $0x8100, s30;
	s17 =	sshrl.u32 s17, $0x2;
	v0 =	vld [tilespmem:s21+$0x0]  }
0x37: {  	v1 =	vld [tilespmem:s21+$0xFFFFFFE0];
	s19 =	sor.u32 $0x4000, s17  }
0x38: {  	s31 =	sshrl.u32 s18, $0x2;
	s18 =	sadd.s32 $0x0, s19  }
0x39: {  	s20 =	simm.s32 $0x4;
	s21 =	sadd.s32 $0x40, s21;
	s17 =	sor.u32 $0x4000, s31;
	[tilespmem:s18+$0x1830 ss:$0x81] =	vst.msk $0xffff, v3  }
.LBB1_3:
0x3a: {  	v3 =	vld [tilespmem:s21+$0x10];
	p1 =	sne.s32 s20, $0x1FC;
	[tilespmem:s18+$0x810 ss:$0x81] =	vst.msk $0xffff, v2;
	s22 =	smov.u32 s20;
	s20 =	sadd.s32 $0x4, s20  }
.Ltmp3:
0x3b: {  	v2 =	vld [tilespmem:s21+$0xFFFFFFF0];
	[tilespmem:s18+$0x1020 ss:$0x81] =	vst.msk $0xffff, v0;
	(pc) =	sbr.rel @p1 .LBB1_3-.Ltmp3, $4  }
0x3c: {  	v0 =	vld [tilespmem:s21+$0x0];
	[tilespmem:s18+$0x0 ss:$0x81] =	vst.msk $0xffff, v1  }
0x3d: {  	s18 =	sshra.s32 s22, $0x2;
	v1 =	vld [tilespmem:s21+$0xFFFFFFE0]  }
0x3e: {  	s18 =	sadd.s32 s18, s19  }
0x3f: {  	s21 =	sadd.s32 $0x40, s21;
	[tilespmem:s18+$0x1830 ss:$0x81] =	vst.msk $0xffff, v3  }
.Ltmp4:
0x40: {  	_ = 	snop;
	(pc) =	sbr.rel .LBB1_4-.Ltmp4, $1  }
0x41: {  	_ =	sdelay $0x3  }
.LBB1_6:
0x42: {  	_ =	sfence.sel $0x180000  }
0x43: {  	s1 =	simm.s32 $0x1;
	[bflag:$0x0] =	sbarrier.arrive $0xFFFF  }
0x44: {  	s31 =	simm.s32 $0x2;
	[sflag:s1] =	ssyncpa.u1 $0x1  }
0x45: {  	[sflag:s31] =	ssyncpa.u1 $0x1  }
0x46: {  	p0 =	sne.s32 s0, $0x0;
	_ =	strace $0x90000047  }
0x47: {  	s0 =	sadd.s32 @!p0 $0x100000, s3;
	[bflag:$0x2] =	sbarrier.arrive $0xFFFF  }
0x48: {  	[sflag:s0] =	ssyncadd.tile.s32 @!p0 $0x1;
	_ =	shalt  }
.Lfunc_end1:
_tile_overlayer_lowered:
.L_overlay_start_2:
0x49: {  	(tag) =	ssettag $0x2  }
0x4a: {  	s0 =	rddreg [dreg:$0x0];
	s2 =	stileid.u32  }
0x4b: {  	s1 =	rddreg [dreg:$0x1];
	p0 =	sne.s32 s2, $0x0  }
0x4c: {  	s3 =	rddreg [dreg:$0x2];
	[bflag:$0x3] =	sbarrier.arrive $0xFFFF;
	s2 =	simm.s32 @!p0 $0x1C01  }
0x4d: {  	[timem:s3], [sflag:s2] =	dma.local @!p0 [hbm:s0], s1  }
0x4e: {  	s0 =	simm.s32 @!p0 $0x1  }
0x4f: {  	_ =	swait.ge @!p0 [sflag:s0], s1  }
0x50: {  	s1 =	ssub.s32 @!p0 $0x0, s1;
	[sflag:s0] =	ssyncset.done @!p0 $0x0  }
0x51: {  	[sflag:s0] =	ssyncadd.s32 @!p0 s1  }
0x52: {  	[bflag:$0x3] =	sbarrier.arrive $0xFFFF  }
0x53: {  	_ =	shalt  }

</sc_bundles>
